<compile_context>
chip_gen: v7x
topology: tpu7x:2x2x1
jax: 0.10.2.dev20260603
libtpu: 0.0.44.dev20260713+nightly
codegen_flags: <defaults>
</compile_context>

<pallas_src>
import functools

import jax
import jax.numpy as jnp
from jax import lax
from jax.experimental import pallas as pl
from jax.experimental.pallas import tpu as pltpu
from jax.experimental.pallas import tpu_sc as plsc

D = 128
NC = 2
NS = 16
NW = NC * NS
CHUNK = 128
NBUF = 6
LAG = 2


@functools.partial(jax.jit, static_argnums=(2, 3))
def _emb_lookup(idx, table, n_chunks, per_w):
    mesh = plsc.VectorSubcoreMesh(core_axis_name="c", subcore_axis_name="s")
    total = NW * per_w

    @functools.partial(
        pl.kernel,
        out_type=jax.ShapeDtypeStruct((total, D), jnp.float32),
        mesh=mesh,
        scratch_types=[
            pltpu.VMEM((n_chunks, CHUNK), jnp.int32),
            [pltpu.VMEM((CHUNK, D), jnp.float32) for _ in range(NBUF)],
            [pltpu.SemaphoreType.DMA for _ in range(NBUF)],
            [pltpu.SemaphoreType.DMA for _ in range(NBUF)],
        ],
    )
    def emb(idx_hbm, table_hbm, out_hbm, idx_v, rows, gsem, osem):
        wid = lax.axis_index("s") * NC + lax.axis_index("c")
        row_base = wid * per_w
        pltpu.sync_copy(idx_hbm.at[wid], idx_v)

        def fire_gather(j, b):
            pltpu.async_copy(table_hbm.at[idx_v.at[j]], rows[b], gsem[b])

        def wait_gather(j, b):
            pltpu.make_async_copy(
                table_hbm.at[idx_v.at[j]], rows[b], gsem[b]
            ).wait()

        def fire_out(j, b):
            pltpu.async_copy(
                rows[b],
                out_hbm.at[pl.ds(row_base + j * CHUNK, CHUNK)],
                osem[b],
            )

        def wait_out(j, b):
            pltpu.make_async_copy(
                rows[b],
                out_hbm.at[pl.ds(row_base + j * CHUNK, CHUNK)],
                osem[b],
            ).wait()

        for b in range(NBUF):
            fire_gather(b, b)
        for j in range(NBUF):
            wait_gather(j, j)
            fire_out(j, j)
            if j >= LAG:
                wait_out(j - LAG, j - LAG)
                fire_gather(j - LAG + NBUF, j - LAG)

        n_groups = (n_chunks - NBUF) // NBUF - 1

        @pl.loop(0, n_groups)
        def _group(g):
            j0 = NBUF + g * NBUF
            for b in range(NBUF):
                j = j0 + b
                wait_gather(j, b)
                fire_out(j, b)
                jd = j - LAG
                bd = (b - LAG) % NBUF
                wait_out(jd, bd)
                fire_gather(jd + NBUF, bd)

        for jj in range(NBUF * (n_groups + 1), n_chunks):
            b = jj % NBUF
            wait_gather(jj, b)
            fire_out(jj, b)
            jd = jj - LAG
            wait_out(jd, jd % NBUF)
            if jd + NBUF < n_chunks:
                fire_gather(jd + NBUF, jd % NBUF)
        for jd in range(n_chunks - LAG, n_chunks):
            wait_out(jd, jd % NBUF)

    return emb(idx, table)


def kernel(label_ids, table):
    B, S = label_ids.shape
    total = B * S
    per_w = total // NW
    n_chunks = per_w // CHUNK
    idx = label_ids.reshape(NW, n_chunks, CHUNK).astype(jnp.int32)
    out = _emb_lookup(idx, table, n_chunks, per_w)
    return out.reshape(B, S, D)

# --- scband reference (transcript-rebuilt; emitter-appended) ---
"""Pipeline reference for scband-label-embedding-55439437856851 (READ-ONLY COPY).

The authoritative reference and input builder live on the scoring server;
editing this copy changes nothing except your own understanding.
"""

import jax, jax.numpy as jnp
import numpy as np

VOCAB = 100000
EMBED_DIM = 128
BATCH = 4096
SEQ = 200

def setup_inputs(seed: int = 0) -> dict:
    key = jax.random.key(seed)
    k_idx, k_tab = jax.random.split(key)
    label_ids = jax.random.randint(k_idx, (BATCH, SEQ), 0, VOCAB, dtype=jnp.int64 if jax.config.jax_enable_x64 else jnp.int32)
    # xavier_uniform init for embedding table [VOCAB, EMBED_DIM]
    limit = float(np.sqrt(6.0 / (VOCAB + EMBED_DIM)))
    table = jax.random.uniform(k_tab, (VOCAB, EMBED_DIM), dtype=jnp.float32, minval=-limit, maxval=limit)
    return {"label_ids": label_ids, "table": table}

def reference(label_ids, table):
    # nn.Embedding forward: gather rows of the table by index
    return jnp.take(table, label_ids, axis=0)

if __name__ == "__main__":
    import jax
    _d = setup_inputs()
    print(jax.jit(kernel)(*tuple(_d.values())))

</pallas_src>

<mosaic_0001>
#map = affine_map<(d0, d1) -> (0, 0, 0)>
#map1 = affine_map<(d0, d1) -> (0, 0)>
module attributes {stable_mosaic.version = 14 : i64} {
  func.func @emb(%arg0: i32, %arg1: i32, %arg2: memref<32x200x128xi32, #tpu.memory_space<hbm>>, %arg3: memref<100000x128xf32, #tpu.memory_space<hbm>>, %arg4: memref<819200x128xf32, #tpu.memory_space<hbm>>, %arg5: memref<200x128xi32, #tpu.memory_space<vmem>>, %arg6: memref<128x128xf32, #tpu.memory_space<vmem>>, %arg7: memref<128x128xf32, #tpu.memory_space<vmem>>, %arg8: memref<128x128xf32, #tpu.memory_space<vmem>>, %arg9: memref<128x128xf32, #tpu.memory_space<vmem>>, %arg10: memref<128x128xf32, #tpu.memory_space<vmem>>, %arg11: memref<128x128xf32, #tpu.memory_space<vmem>>, %arg12: memref<!tpu.dma_semaphore, #tpu.memory_space<semaphore_mem>>, %arg13: memref<!tpu.dma_semaphore, #tpu.memory_space<semaphore_mem>>, %arg14: memref<!tpu.dma_semaphore, #tpu.memory_space<semaphore_mem>>, %arg15: memref<!tpu.dma_semaphore, #tpu.memory_space<semaphore_mem>>, %arg16: memref<!tpu.dma_semaphore, #tpu.memory_space<semaphore_mem>>, %arg17: memref<!tpu.dma_semaphore, #tpu.memory_space<semaphore_mem>>, %arg18: memref<!tpu.dma_semaphore, #tpu.memory_space<semaphore_mem>>, %arg19: memref<!tpu.dma_semaphore, #tpu.memory_space<semaphore_mem>>, %arg20: memref<!tpu.dma_semaphore, #tpu.memory_space<semaphore_mem>>, %arg21: memref<!tpu.dma_semaphore, #tpu.memory_space<semaphore_mem>>, %arg22: memref<!tpu.dma_semaphore, #tpu.memory_space<semaphore_mem>>, %arg23: memref<!tpu.dma_semaphore, #tpu.memory_space<semaphore_mem>>) attributes {dimension_semantics = [#tpu.dimension_semantics<core_parallel>, #tpu.dimension_semantics<subcore_parallel>], iteration_bounds = array<i64: 2, 16>, scalar_prefetch = 0 : i64, scratch_operands = 19 : i64, tpu.core_type = #tpu.core_type<sc_vector_subcore>, window_params = [{transform_indices = #map}, {transform_indices = #map1}, {transform_indices = #map1}]} {
    %mul3A = arith.constant 2 : i32
    %mul3A_0 = arith.muli %arg1, %mul3A : i32
    %add3A = arith.addi %mul3A_0, %arg0 : i32
    %mul3A_1 = arith.constant 25600 : i32
    %mul3A_2 = arith.muli %add3A, %mul3A_1 : i32
    "tpu.region"() ({
      %run_scoped3A = tpu.sem_alloc : memref<!tpu.dma_semaphore, #tpu.memory_space<semaphore_mem>>
      %dma_start3A_369 = arith.constant 0 : i32
      %dma_start3A_370 = arith.constant 0 : i32
      %dma_start3A_371 = tpu.memref_slice %arg2[%add3A, %dma_start3A_369, %dma_start3A_370] : memref<32x200x128xi32, #tpu.memory_space<hbm>> -> memref<1x200x128xi32, #tpu.memory_space<hbm>>
      %dma_start3A_372 = tpu.memref_squeeze %dma_start3A_371 : memref<1x200x128xi32, #tpu.memory_space<hbm>> -> memref<200x128xi32, #tpu.memory_space<hbm>>
      %dma_start3A_373 = arith.constant 0 : i32
      %dma_start3A_374 = arith.constant 0 : i32
      %dma_start3A_375 = tpu.memref_slice %arg2[%add3A, %dma_start3A_373, %dma_start3A_374] : memref<32x200x128xi32, #tpu.memory_space<hbm>> -> memref<1x200x128xi32, #tpu.memory_space<hbm>>
      %dma_start3A_376 = tpu.memref_squeeze %dma_start3A_375 : memref<1x200x128xi32, #tpu.memory_space<hbm>> -> memref<200x128xi32, #tpu.memory_space<hbm>>
      tpu.enqueue_dma source(%dma_start3A_376 : memref<200x128xi32, #tpu.memory_space<hbm>>) target(%arg5 : memref<200x128xi32, #tpu.memory_space<vmem>>) target_semaphore(%run_scoped3A : memref<!tpu.dma_semaphore, #tpu.memory_space<semaphore_mem>>)
      %dma_wait3A_377 = arith.constant 0 : i32
      %dma_wait3A_378 = arith.constant 0 : i32
      %dma_wait3A_379 = tpu.memref_slice %arg2[%add3A, %dma_wait3A_377, %dma_wait3A_378] : memref<32x200x128xi32, #tpu.memory_space<hbm>> -> memref<1x200x128xi32, #tpu.memory_space<hbm>>
      %dma_wait3A_380 = tpu.memref_squeeze %dma_wait3A_379 : memref<1x200x128xi32, #tpu.memory_space<hbm>> -> memref<200x128xi32, #tpu.memory_space<hbm>>
      %dma_wait3A_381 = arith.constant 0 : i32
      %dma_wait3A_382 = arith.constant 0 : i32
      %dma_wait3A_383 = tpu.memref_slice %arg2[%add3A, %dma_wait3A_381, %dma_wait3A_382] : memref<32x200x128xi32, #tpu.memory_space<hbm>> -> memref<1x200x128xi32, #tpu.memory_space<hbm>>
      %dma_wait3A_384 = tpu.memref_squeeze %dma_wait3A_383 : memref<1x200x128xi32, #tpu.memory_space<hbm>> -> memref<200x128xi32, #tpu.memory_space<hbm>>
      tpu.wait_dma2 semaphore(%run_scoped3A : memref<!tpu.dma_semaphore, #tpu.memory_space<semaphore_mem>>) src(%dma_wait3A_384 : memref<200x128xi32, #tpu.memory_space<hbm>>) dst(%arg5 : memref<200x128xi32, #tpu.memory_space<vmem>>)
      tpu.yield
    }) : () -> ()
    %dma_start3A = arith.constant 0 : i32
    %dma_start3A_3 = arith.constant 0 : i32
    %dma_start3A_4 = tpu.memref_slice %arg5[%dma_start3A, %dma_start3A_3] : memref<200x128xi32, #tpu.memory_space<vmem>> -> memref<1x128xi32, #tpu.memory_space<vmem>>
    %dma_start3A_5 = tpu.memref_squeeze %dma_start3A_4 : memref<1x128xi32, #tpu.memory_space<vmem>> -> memref<128xi32, #tpu.memory_space<vmem>>
    %dma_start3A_6 = arith.constant 0 : i32
    %dma_start3A_7 = arith.constant 0 : i32
    %dma_start3A_8 = tpu.memref_slice %arg3[%dma_start3A_6, %dma_start3A_7] : memref<100000x128xf32, #tpu.memory_space<hbm>> -> memref<100000x128xf32, #tpu.memory_space<hbm>>
    tpu.enqueue_indirect_dma source(%dma_start3A_8 : memref<100000x128xf32, #tpu.memory_space<hbm>>) target(%arg6 : memref<128x128xf32, #tpu.memory_space<vmem>>) offsets(%dma_start3A_5 : memref<128xi32, #tpu.memory_space<vmem>>) semaphore(%arg12 : memref<!tpu.dma_semaphore, #tpu.memory_space<semaphore_mem>>)
    %dma_start3A_9 = arith.constant 1 : i32
    %dma_start3A_10 = arith.constant 0 : i32
    %dma_start3A_11 = tpu.memref_slice %arg5[%dma_start3A_9, %dma_start3A_10] : memref<200x128xi32, #tpu.memory_space<vmem>> -> memref<1x128xi32, #tpu.memory_space<vmem>>
    %dma_start3A_12 = tpu.memref_squeeze %dma_start3A_11 : memref<1x128xi32, #tpu.memory_space<vmem>> -> memref<128xi32, #tpu.memory_space<vmem>>
    %dma_start3A_13 = arith.constant 0 : i32
    %dma_start3A_14 = arith.constant 0 : i32
    %dma_start3A_15 = tpu.memref_slice %arg3[%dma_start3A_13, %dma_start3A_14] : memref<100000x128xf32, #tpu.memory_space<hbm>> -> memref<100000x128xf32, #tpu.memory_space<hbm>>
    tpu.enqueue_indirect_dma source(%dma_start3A_15 : memref<100000x128xf32, #tpu.memory_space<hbm>>) target(%arg7 : memref<128x128xf32, #tpu.memory_space<vmem>>) offsets(%dma_start3A_12 : memref<128xi32, #tpu.memory_space<vmem>>) semaphore(%arg13 : memref<!tpu.dma_semaphore, #tpu.memory_space<semaphore_mem>>)
    %dma_start3A_16 = arith.constant 2 : i32
    %dma_start3A_17 = arith.constant 0 : i32
    %dma_start3A_18 = tpu.memref_slice %arg5[%dma_start3A_16, %dma_start3A_17] : memref<200x128xi32, #tpu.memory_space<vmem>> -> memref<1x128xi32, #tpu.memory_space<vmem>>
    %dma_start3A_19 = tpu.memref_squeeze %dma_start3A_18 : memref<1x128xi32, #tpu.memory_space<vmem>> -> memref<128xi32, #tpu.memory_space<vmem>>
    %dma_start3A_20 = arith.constant 0 : i32
    %dma_start3A_21 = arith.constant 0 : i32
    %dma_start3A_22 = tpu.memref_slice %arg3[%dma_start3A_20, %dma_start3A_21] : memref<100000x128xf32, #tpu.memory_space<hbm>> -> memref<100000x128xf32, #tpu.memory_space<hbm>>
    tpu.enqueue_indirect_dma source(%dma_start3A_22 : memref<100000x128xf32, #tpu.memory_space<hbm>>) target(%arg8 : memref<128x128xf32, #tpu.memory_space<vmem>>) offsets(%dma_start3A_19 : memref<128xi32, #tpu.memory_space<vmem>>) semaphore(%arg14 : memref<!tpu.dma_semaphore, #tpu.memory_space<semaphore_mem>>)
    %dma_start3A_23 = arith.constant 3 : i32
    %dma_start3A_24 = arith.constant 0 : i32
    %dma_start3A_25 = tpu.memref_slice %arg5[%dma_start3A_23, %dma_start3A_24] : memref<200x128xi32, #tpu.memory_space<vmem>> -> memref<1x128xi32, #tpu.memory_space<vmem>>
    %dma_start3A_26 = tpu.memref_squeeze %dma_start3A_25 : memref<1x128xi32, #tpu.memory_space<vmem>> -> memref<128xi32, #tpu.memory_space<vmem>>
    %dma_start3A_27 = arith.constant 0 : i32
    %dma_start3A_28 = arith.constant 0 : i32
    %dma_start3A_29 = tpu.memref_slice %arg3[%dma_start3A_27, %dma_start3A_28] : memref<100000x128xf32, #tpu.memory_space<hbm>> -> memref<100000x128xf32, #tpu.memory_space<hbm>>
    tpu.enqueue_indirect_dma source(%dma_start3A_29 : memref<100000x128xf32, #tpu.memory_space<hbm>>) target(%arg9 : memref<128x128xf32, #tpu.memory_space<vmem>>) offsets(%dma_start3A_26 : memref<128xi32, #tpu.memory_space<vmem>>) semaphore(%arg15 : memref<!tpu.dma_semaphore, #tpu.memory_space<semaphore_mem>>)
    %dma_start3A_30 = arith.constant 4 : i32
    %dma_start3A_31 = arith.constant 0 : i32
    %dma_start3A_32 = tpu.memref_slice %arg5[%dma_start3A_30, %dma_start3A_31] : memref<200x128xi32, #tpu.memory_space<vmem>> -> memref<1x128xi32, #tpu.memory_space<vmem>>
    %dma_start3A_33 = tpu.memref_squeeze %dma_start3A_32 : memref<1x128xi32, #tpu.memory_space<vmem>> -> memref<128xi32, #tpu.memory_space<vmem>>
    %dma_start3A_34 = arith.constant 0 : i32
    %dma_start3A_35 = arith.constant 0 : i32
    %dma_start3A_36 = tpu.memref_slice %arg3[%dma_start3A_34, %dma_start3A_35] : memref<100000x128xf32, #tpu.memory_space<hbm>> -> memref<100000x128xf32, #tpu.memory_space<hbm>>
    tpu.enqueue_indirect_dma source(%dma_start3A_36 : memref<100000x128xf32, #tpu.memory_space<hbm>>) target(%arg10 : memref<128x128xf32, #tpu.memory_space<vmem>>) offsets(%dma_start3A_33 : memref<128xi32, #tpu.memory_space<vmem>>) semaphore(%arg16 : memref<!tpu.dma_semaphore, #tpu.memory_space<semaphore_mem>>)
    %dma_start3A_37 = arith.constant 5 : i32
    %dma_start3A_38 = arith.constant 0 : i32
    %dma_start3A_39 = tpu.memref_slice %arg5[%dma_start3A_37, %dma_start3A_38] : memref<200x128xi32, #tpu.memory_space<vmem>> -> memref<1x128xi32, #tpu.memory_space<vmem>>
    %dma_start3A_40 = tpu.memref_squeeze %dma_start3A_39 : memref<1x128xi32, #tpu.memory_space<vmem>> -> memref<128xi32, #tpu.memory_space<vmem>>
    %dma_start3A_41 = arith.constant 0 : i32
    %dma_start3A_42 = arith.constant 0 : i32
    %dma_start3A_43 = tpu.memref_slice %arg3[%dma_start3A_41, %dma_start3A_42] : memref<100000x128xf32, #tpu.memory_space<hbm>> -> memref<100000x128xf32, #tpu.memory_space<hbm>>
    tpu.enqueue_indirect_dma source(%dma_start3A_43 : memref<100000x128xf32, #tpu.memory_space<hbm>>) target(%arg11 : memref<128x128xf32, #tpu.memory_space<vmem>>) offsets(%dma_start3A_40 : memref<128xi32, #tpu.memory_space<vmem>>) semaphore(%arg17 : memref<!tpu.dma_semaphore, #tpu.memory_space<semaphore_mem>>)
    %dma_wait3A = arith.constant 0 : i32
    %dma_wait3A_44 = arith.constant 0 : i32
    %dma_wait3A_45 = tpu.memref_slice %arg5[%dma_wait3A, %dma_wait3A_44] : memref<200x128xi32, #tpu.memory_space<vmem>> -> memref<1x128xi32, #tpu.memory_space<vmem>>
    %dma_wait3A_46 = tpu.memref_squeeze %dma_wait3A_45 : memref<1x128xi32, #tpu.memory_space<vmem>> -> memref<128xi32, #tpu.memory_space<vmem>>
    %dma_wait3A_47 = arith.constant 0 : i32
    %dma_wait3A_48 = arith.constant 0 : i32
    %dma_wait3A_49 = tpu.memref_slice %arg3[%dma_wait3A_47, %dma_wait3A_48] : memref<100000x128xf32, #tpu.memory_space<hbm>> -> memref<100000x128xf32, #tpu.memory_space<hbm>>
    tpu.wait_indirect_dma semaphore(%arg12 : memref<!tpu.dma_semaphore, #tpu.memory_space<semaphore_mem>>) src(%dma_wait3A_49 : memref<100000x128xf32, #tpu.memory_space<hbm>>) dst(%arg6 : memref<128x128xf32, #tpu.memory_space<vmem>>)
    %add3A_50 = arith.constant 0 : i32
    %add3A_51 = arith.addi %mul3A_2, %add3A_50 : i32
    %dma_start3A_52 = arith.constant 0 : i32
    %dma_start3A_53 = tpu.memref_slice %arg4[%add3A_51, %dma_start3A_52] : memref<819200x128xf32, #tpu.memory_space<hbm>> -> memref<128x128xf32, #tpu.memory_space<hbm>>
    %dma_start3A_54 = arith.constant 0 : i32
    %dma_start3A_55 = tpu.memref_slice %arg4[%add3A_51, %dma_start3A_54] : memref<819200x128xf32, #tpu.memory_space<hbm>> -> memref<128x128xf32, #tpu.memory_space<hbm>>
    tpu.enqueue_dma source(%arg6 : memref<128x128xf32, #tpu.memory_space<vmem>>) target(%dma_start3A_55 : memref<128x128xf32, #tpu.memory_space<hbm>>) target_semaphore(%arg18 : memref<!tpu.dma_semaphore, #tpu.memory_space<semaphore_mem>>)
    %dma_wait3A_56 = arith.constant 1 : i32
    %dma_wait3A_57 = arith.constant 0 : i32
    %dma_wait3A_58 = tpu.memref_slice %arg5[%dma_wait3A_56, %dma_wait3A_57] : memref<200x128xi32, #tpu.memory_space<vmem>> -> memref<1x128xi32, #tpu.memory_space<vmem>>
    %dma_wait3A_59 = tpu.memref_squeeze %dma_wait3A_58 : memref<1x128xi32, #tpu.memory_space<vmem>> -> memref<128xi32, #tpu.memory_space<vmem>>
    %dma_wait3A_60 = arith.constant 0 : i32
    %dma_wait3A_61 = arith.constant 0 : i32
    %dma_wait3A_62 = tpu.memref_slice %arg3[%dma_wait3A_60, %dma_wait3A_61] : memref<100000x128xf32, #tpu.memory_space<hbm>> -> memref<100000x128xf32, #tpu.memory_space<hbm>>
    tpu.wait_indirect_dma semaphore(%arg13 : memref<!tpu.dma_semaphore, #tpu.memory_space<semaphore_mem>>) src(%dma_wait3A_62 : memref<100000x128xf32, #tpu.memory_space<hbm>>) dst(%arg7 : memref<128x128xf32, #tpu.memory_space<vmem>>)
    %add3A_63 = arith.constant 128 : i32
    %add3A_64 = arith.addi %mul3A_2, %add3A_63 : i32
    %dma_start3A_65 = arith.constant 0 : i32
    %dma_start3A_66 = tpu.memref_slice %arg4[%add3A_64, %dma_start3A_65] : memref<819200x128xf32, #tpu.memory_space<hbm>> -> memref<128x128xf32, #tpu.memory_space<hbm>>
    %dma_start3A_67 = arith.constant 0 : i32
    %dma_start3A_68 = tpu.memref_slice %arg4[%add3A_64, %dma_start3A_67] : memref<819200x128xf32, #tpu.memory_space<hbm>> -> memref<128x128xf32, #tpu.memory_space<hbm>>
    tpu.enqueue_dma source(%arg7 : memref<128x128xf32, #tpu.memory_space<vmem>>) target(%dma_start3A_68 : memref<128x128xf32, #tpu.memory_space<hbm>>) target_semaphore(%arg19 : memref<!tpu.dma_semaphore, #tpu.memory_space<semaphore_mem>>)
    %dma_wait3A_69 = arith.constant 2 : i32
    %dma_wait3A_70 = arith.constant 0 : i32
    %dma_wait3A_71 = tpu.memref_slice %arg5[%dma_wait3A_69, %dma_wait3A_70] : memref<200x128xi32, #tpu.memory_space<vmem>> -> memref<1x128xi32, #tpu.memory_space<vmem>>
    %dma_wait3A_72 = tpu.memref_squeeze %dma_wait3A_71 : memref<1x128xi32, #tpu.memory_space<vmem>> -> memref<128xi32, #tpu.memory_space<vmem>>
    %dma_wait3A_73 = arith.constant 0 : i32
    %dma_wait3A_74 = arith.constant 0 : i32
    %dma_wait3A_75 = tpu.memref_slice %arg3[%dma_wait3A_73, %dma_wait3A_74] : memref<100000x128xf32, #tpu.memory_space<hbm>> -> memref<100000x128xf32, #tpu.memory_space<hbm>>
    tpu.wait_indirect_dma semaphore(%arg14 : memref<!tpu.dma_semaphore, #tpu.memory_space<semaphore_mem>>) src(%dma_wait3A_75 : memref<100000x128xf32, #tpu.memory_space<hbm>>) dst(%arg8 : memref<128x128xf32, #tpu.memory_space<vmem>>)
    %add3A_76 = arith.constant 256 : i32
    %add3A_77 = arith.addi %mul3A_2, %add3A_76 : i32
    %dma_start3A_78 = arith.constant 0 : i32
    %dma_start3A_79 = tpu.memref_slice %arg4[%add3A_77, %dma_start3A_78] : memref<819200x128xf32, #tpu.memory_space<hbm>> -> memref<128x128xf32, #tpu.memory_space<hbm>>
    %dma_start3A_80 = arith.constant 0 : i32
    %dma_start3A_81 = tpu.memref_slice %arg4[%add3A_77, %dma_start3A_80] : memref<819200x128xf32, #tpu.memory_space<hbm>> -> memref<128x128xf32, #tpu.memory_space<hbm>>
    tpu.enqueue_dma source(%arg8 : memref<128x128xf32, #tpu.memory_space<vmem>>) target(%dma_start3A_81 : memref<128x128xf32, #tpu.memory_space<hbm>>) target_semaphore(%arg20 : memref<!tpu.dma_semaphore, #tpu.memory_space<semaphore_mem>>)
    %add3A_82 = arith.constant 0 : i32
    %add3A_83 = arith.addi %mul3A_2, %add3A_82 : i32
    %dma_wait3A_84 = arith.constant 0 : i32
    %dma_wait3A_85 = tpu.memref_slice %arg4[%add3A_83, %dma_wait3A_84] : memref<819200x128xf32, #tpu.memory_space<hbm>> -> memref<128x128xf32, #tpu.memory_space<hbm>>
    %dma_wait3A_86 = arith.constant 0 : i32
    %dma_wait3A_87 = tpu.memref_slice %arg4[%add3A_83, %dma_wait3A_86] : memref<819200x128xf32, #tpu.memory_space<hbm>> -> memref<128x128xf32, #tpu.memory_space<hbm>>
    tpu.wait_dma2 semaphore(%arg18 : memref<!tpu.dma_semaphore, #tpu.memory_space<semaphore_mem>>) src(%arg6 : memref<128x128xf32, #tpu.memory_space<vmem>>) dst(%dma_wait3A_87 : memref<128x128xf32, #tpu.memory_space<hbm>>)
    %dma_start3A_88 = arith.constant 6 : i32
    %dma_start3A_89 = arith.constant 0 : i32
    %dma_start3A_90 = tpu.memref_slice %arg5[%dma_start3A_88, %dma_start3A_89] : memref<200x128xi32, #tpu.memory_space<vmem>> -> memref<1x128xi32, #tpu.memory_space<vmem>>
    %dma_start3A_91 = tpu.memref_squeeze %dma_start3A_90 : memref<1x128xi32, #tpu.memory_space<vmem>> -> memref<128xi32, #tpu.memory_space<vmem>>
    %dma_start3A_92 = arith.constant 0 : i32
    %dma_start3A_93 = arith.constant 0 : i32
    %dma_start3A_94 = tpu.memref_slice %arg3[%dma_start3A_92, %dma_start3A_93] : memref<100000x128xf32, #tpu.memory_space<hbm>> -> memref<100000x128xf32, #tpu.memory_space<hbm>>
    tpu.enqueue_indirect_dma source(%dma_start3A_94 : memref<100000x128xf32, #tpu.memory_space<hbm>>) target(%arg6 : memref<128x128xf32, #tpu.memory_space<vmem>>) offsets(%dma_start3A_91 : memref<128xi32, #tpu.memory_space<vmem>>) semaphore(%arg12 : memref<!tpu.dma_semaphore, #tpu.memory_space<semaphore_mem>>)
    %dma_wait3A_95 = arith.constant 3 : i32
    %dma_wait3A_96 = arith.constant 0 : i32
    %dma_wait3A_97 = tpu.memref_slice %arg5[%dma_wait3A_95, %dma_wait3A_96] : memref<200x128xi32, #tpu.memory_space<vmem>> -> memref<1x128xi32, #tpu.memory_space<vmem>>
    %dma_wait3A_98 = tpu.memref_squeeze %dma_wait3A_97 : memref<1x128xi32, #tpu.memory_space<vmem>> -> memref<128xi32, #tpu.memory_space<vmem>>
    %dma_wait3A_99 = arith.constant 0 : i32
    %dma_wait3A_100 = arith.constant 0 : i32
    %dma_wait3A_101 = tpu.memref_slice %arg3[%dma_wait3A_99, %dma_wait3A_100] : memref<100000x128xf32, #tpu.memory_space<hbm>> -> memref<100000x128xf32, #tpu.memory_space<hbm>>
    tpu.wait_indirect_dma semaphore(%arg15 : memref<!tpu.dma_semaphore, #tpu.memory_space<semaphore_mem>>) src(%dma_wait3A_101 : memref<100000x128xf32, #tpu.memory_space<hbm>>) dst(%arg9 : memref<128x128xf32, #tpu.memory_space<vmem>>)
    %add3A_102 = arith.constant 384 : i32
    %add3A_103 = arith.addi %mul3A_2, %add3A_102 : i32
    %dma_start3A_104 = arith.constant 0 : i32
    %dma_start3A_105 = tpu.memref_slice %arg4[%add3A_103, %dma_start3A_104] : memref<819200x128xf32, #tpu.memory_space<hbm>> -> memref<128x128xf32, #tpu.memory_space<hbm>>
    %dma_start3A_106 = arith.constant 0 : i32
    %dma_start3A_107 = tpu.memref_slice %arg4[%add3A_103, %dma_start3A_106] : memref<819200x128xf32, #tpu.memory_space<hbm>> -> memref<128x128xf32, #tpu.memory_space<hbm>>
    tpu.enqueue_dma source(%arg9 : memref<128x128xf32, #tpu.memory_space<vmem>>) target(%dma_start3A_107 : memref<128x128xf32, #tpu.memory_space<hbm>>) target_semaphore(%arg21 : memref<!tpu.dma_semaphore, #tpu.memory_space<semaphore_mem>>)
    %add3A_108 = arith.constant 128 : i32
    %add3A_109 = arith.addi %mul3A_2, %add3A_108 : i32
    %dma_wait3A_110 = arith.constant 0 : i32
    %dma_wait3A_111 = tpu.memref_slice %arg4[%add3A_109, %dma_wait3A_110] : memref<819200x128xf32, #tpu.memory_space<hbm>> -> memref<128x128xf32, #tpu.memory_space<hbm>>
    %dma_wait3A_112 = arith.constant 0 : i32
    %dma_wait3A_113 = tpu.memref_slice %arg4[%add3A_109, %dma_wait3A_112] : memref<819200x128xf32, #tpu.memory_space<hbm>> -> memref<128x128xf32, #tpu.memory_space<hbm>>
    tpu.wait_dma2 semaphore(%arg19 : memref<!tpu.dma_semaphore, #tpu.memory_space<semaphore_mem>>) src(%arg7 : memref<128x128xf32, #tpu.memory_space<vmem>>) dst(%dma_wait3A_113 : memref<128x128xf32, #tpu.memory_space<hbm>>)
    %dma_start3A_114 = arith.constant 7 : i32
    %dma_start3A_115 = arith.constant 0 : i32
    %dma_start3A_116 = tpu.memref_slice %arg5[%dma_start3A_114, %dma_start3A_115] : memref<200x128xi32, #tpu.memory_space<vmem>> -> memref<1x128xi32, #tpu.memory_space<vmem>>
    %dma_start3A_117 = tpu.memref_squeeze %dma_start3A_116 : memref<1x128xi32, #tpu.memory_space<vmem>> -> memref<128xi32, #tpu.memory_space<vmem>>
    %dma_start3A_118 = arith.constant 0 : i32
    %dma_start3A_119 = arith.constant 0 : i32
    %dma_start3A_120 = tpu.memref_slice %arg3[%dma_start3A_118, %dma_start3A_119] : memref<100000x128xf32, #tpu.memory_space<hbm>> -> memref<100000x128xf32, #tpu.memory_space<hbm>>
    tpu.enqueue_indirect_dma source(%dma_start3A_120 : memref<100000x128xf32, #tpu.memory_space<hbm>>) target(%arg7 : memref<128x128xf32, #tpu.memory_space<vmem>>) offsets(%dma_start3A_117 : memref<128xi32, #tpu.memory_space<vmem>>) semaphore(%arg13 : memref<!tpu.dma_semaphore, #tpu.memory_space<semaphore_mem>>)
    %dma_wait3A_121 = arith.constant 4 : i32
    %dma_wait3A_122 = arith.constant 0 : i32
    %dma_wait3A_123 = tpu.memref_slice %arg5[%dma_wait3A_121, %dma_wait3A_122] : memref<200x128xi32, #tpu.memory_space<vmem>> -> memref<1x128xi32, #tpu.memory_space<vmem>>
    %dma_wait3A_124 = tpu.memref_squeeze %dma_wait3A_123 : memref<1x128xi32, #tpu.memory_space<vmem>> -> memref<128xi32, #tpu.memory_space<vmem>>
    %dma_wait3A_125 = arith.constant 0 : i32
    %dma_wait3A_126 = arith.constant 0 : i32
    %dma_wait3A_127 = tpu.memref_slice %arg3[%dma_wait3A_125, %dma_wait3A_126] : memref<100000x128xf32, #tpu.memory_space<hbm>> -> memref<100000x128xf32, #tpu.memory_space<hbm>>
    tpu.wait_indirect_dma semaphore(%arg16 : memref<!tpu.dma_semaphore, #tpu.memory_space<semaphore_mem>>) src(%dma_wait3A_127 : memref<100000x128xf32, #tpu.memory_space<hbm>>) dst(%arg10 : memref<128x128xf32, #tpu.memory_space<vmem>>)
    %add3A_128 = arith.constant 512 : i32
    %add3A_129 = arith.addi %mul3A_2, %add3A_128 : i32
    %dma_start3A_130 = arith.constant 0 : i32
    %dma_start3A_131 = tpu.memref_slice %arg4[%add3A_129, %dma_start3A_130] : memref<819200x128xf32, #tpu.memory_space<hbm>> -> memref<128x128xf32, #tpu.memory_space<hbm>>
    %dma_start3A_132 = arith.constant 0 : i32
    %dma_start3A_133 = tpu.memref_slice %arg4[%add3A_129, %dma_start3A_132] : memref<819200x128xf32, #tpu.memory_space<hbm>> -> memref<128x128xf32, #tpu.memory_space<hbm>>
    tpu.enqueue_dma source(%arg10 : memref<128x128xf32, #tpu.memory_space<vmem>>) target(%dma_start3A_133 : memref<128x128xf32, #tpu.memory_space<hbm>>) target_semaphore(%arg22 : memref<!tpu.dma_semaphore, #tpu.memory_space<semaphore_mem>>)
    %add3A_134 = arith.constant 256 : i32
    %add3A_135 = arith.addi %mul3A_2, %add3A_134 : i32
    %dma_wait3A_136 = arith.constant 0 : i32
    %dma_wait3A_137 = tpu.memref_slice %arg4[%add3A_135, %dma_wait3A_136] : memref<819200x128xf32, #tpu.memory_space<hbm>> -> memref<128x128xf32, #tpu.memory_space<hbm>>
    %dma_wait3A_138 = arith.constant 0 : i32
    %dma_wait3A_139 = tpu.memref_slice %arg4[%add3A_135, %dma_wait3A_138] : memref<819200x128xf32, #tpu.memory_space<hbm>> -> memref<128x128xf32, #tpu.memory_space<hbm>>
    tpu.wait_dma2 semaphore(%arg20 : memref<!tpu.dma_semaphore, #tpu.memory_space<semaphore_mem>>) src(%arg8 : memref<128x128xf32, #tpu.memory_space<vmem>>) dst(%dma_wait3A_139 : memref<128x128xf32, #tpu.memory_space<hbm>>)
    %dma_start3A_140 = arith.constant 8 : i32
    %dma_start3A_141 = arith.constant 0 : i32
    %dma_start3A_142 = tpu.memref_slice %arg5[%dma_start3A_140, %dma_start3A_141] : memref<200x128xi32, #tpu.memory_space<vmem>> -> memref<1x128xi32, #tpu.memory_space<vmem>>
    %dma_start3A_143 = tpu.memref_squeeze %dma_start3A_142 : memref<1x128xi32, #tpu.memory_space<vmem>> -> memref<128xi32, #tpu.memory_space<vmem>>
    %dma_start3A_144 = arith.constant 0 : i32
    %dma_start3A_145 = arith.constant 0 : i32
    %dma_start3A_146 = tpu.memref_slice %arg3[%dma_start3A_144, %dma_start3A_145] : memref<100000x128xf32, #tpu.memory_space<hbm>> -> memref<100000x128xf32, #tpu.memory_space<hbm>>
    tpu.enqueue_indirect_dma source(%dma_start3A_146 : memref<100000x128xf32, #tpu.memory_space<hbm>>) target(%arg8 : memref<128x128xf32, #tpu.memory_space<vmem>>) offsets(%dma_start3A_143 : memref<128xi32, #tpu.memory_space<vmem>>) semaphore(%arg14 : memref<!tpu.dma_semaphore, #tpu.memory_space<semaphore_mem>>)
    %dma_wait3A_147 = arith.constant 5 : i32
    %dma_wait3A_148 = arith.constant 0 : i32
    %dma_wait3A_149 = tpu.memref_slice %arg5[%dma_wait3A_147, %dma_wait3A_148] : memref<200x128xi32, #tpu.memory_space<vmem>> -> memref<1x128xi32, #tpu.memory_space<vmem>>
    %dma_wait3A_150 = tpu.memref_squeeze %dma_wait3A_149 : memref<1x128xi32, #tpu.memory_space<vmem>> -> memref<128xi32, #tpu.memory_space<vmem>>
    %dma_wait3A_151 = arith.constant 0 : i32
    %dma_wait3A_152 = arith.constant 0 : i32
    %dma_wait3A_153 = tpu.memref_slice %arg3[%dma_wait3A_151, %dma_wait3A_152] : memref<100000x128xf32, #tpu.memory_space<hbm>> -> memref<100000x128xf32, #tpu.memory_space<hbm>>
    tpu.wait_indirect_dma semaphore(%arg17 : memref<!tpu.dma_semaphore, #tpu.memory_space<semaphore_mem>>) src(%dma_wait3A_153 : memref<100000x128xf32, #tpu.memory_space<hbm>>) dst(%arg11 : memref<128x128xf32, #tpu.memory_space<vmem>>)
    %add3A_154 = arith.constant 640 : i32
    %add3A_155 = arith.addi %mul3A_2, %add3A_154 : i32
    %dma_start3A_156 = arith.constant 0 : i32
    %dma_start3A_157 = tpu.memref_slice %arg4[%add3A_155, %dma_start3A_156] : memref<819200x128xf32, #tpu.memory_space<hbm>> -> memref<128x128xf32, #tpu.memory_space<hbm>>
    %dma_start3A_158 = arith.constant 0 : i32
    %dma_start3A_159 = tpu.memref_slice %arg4[%add3A_155, %dma_start3A_158] : memref<819200x128xf32, #tpu.memory_space<hbm>> -> memref<128x128xf32, #tpu.memory_space<hbm>>
    tpu.enqueue_dma source(%arg11 : memref<128x128xf32, #tpu.memory_space<vmem>>) target(%dma_start3A_159 : memref<128x128xf32, #tpu.memory_space<hbm>>) target_semaphore(%arg23 : memref<!tpu.dma_semaphore, #tpu.memory_space<semaphore_mem>>)
    %add3A_160 = arith.constant 384 : i32
    %add3A_161 = arith.addi %mul3A_2, %add3A_160 : i32
    %dma_wait3A_162 = arith.constant 0 : i32
    %dma_wait3A_163 = tpu.memref_slice %arg4[%add3A_161, %dma_wait3A_162] : memref<819200x128xf32, #tpu.memory_space<hbm>> -> memref<128x128xf32, #tpu.memory_space<hbm>>
    %dma_wait3A_164 = arith.constant 0 : i32
    %dma_wait3A_165 = tpu.memref_slice %arg4[%add3A_161, %dma_wait3A_164] : memref<819200x128xf32, #tpu.memory_space<hbm>> -> memref<128x128xf32, #tpu.memory_space<hbm>>
    tpu.wait_dma2 semaphore(%arg21 : memref<!tpu.dma_semaphore, #tpu.memory_space<semaphore_mem>>) src(%arg9 : memref<128x128xf32, #tpu.memory_space<vmem>>) dst(%dma_wait3A_165 : memref<128x128xf32, #tpu.memory_space<hbm>>)
    %dma_start3A_166 = arith.constant 9 : i32
    %dma_start3A_167 = arith.constant 0 : i32
    %dma_start3A_168 = tpu.memref_slice %arg5[%dma_start3A_166, %dma_start3A_167] : memref<200x128xi32, #tpu.memory_space<vmem>> -> memref<1x128xi32, #tpu.memory_space<vmem>>
    %dma_start3A_169 = tpu.memref_squeeze %dma_start3A_168 : memref<1x128xi32, #tpu.memory_space<vmem>> -> memref<128xi32, #tpu.memory_space<vmem>>
    %dma_start3A_170 = arith.constant 0 : i32
    %dma_start3A_171 = arith.constant 0 : i32
    %dma_start3A_172 = tpu.memref_slice %arg3[%dma_start3A_170, %dma_start3A_171] : memref<100000x128xf32, #tpu.memory_space<hbm>> -> memref<100000x128xf32, #tpu.memory_space<hbm>>
    tpu.enqueue_indirect_dma source(%dma_start3A_172 : memref<100000x128xf32, #tpu.memory_space<hbm>>) target(%arg9 : memref<128x128xf32, #tpu.memory_space<vmem>>) offsets(%dma_start3A_169 : memref<128xi32, #tpu.memory_space<vmem>>) semaphore(%arg15 : memref<!tpu.dma_semaphore, #tpu.memory_space<semaphore_mem>>)
    %scan3A = arith.constant 0 : i32
    %scan3A_173 = arith.constant 31 : i32
    %scan3A_174 = arith.addi %scan3A, %scan3A_173 : i32
    %scan3A_175 = arith.constant 1 : i32
    scf.for %scan3A_369 = %scan3A to %scan3A_174 step %scan3A_175  : i32 {
      %mul3A_370 = arith.constant 1 : i32
      %mul3A_371 = arith.muli %scan3A_369, %mul3A_370 : i32
      %add3A_372 = arith.constant 0 : i32
      %add3A_373 = arith.addi %add3A_372, %mul3A_371 : i32
      %mul3A_374 = arith.constant 6 : i32
      %mul3A_375 = arith.muli %add3A_373, %mul3A_374 : i32
      %add3A_376 = arith.constant 6 : i32
      %add3A_377 = arith.addi %add3A_376, %mul3A_375 : i32
      %add3A_378 = arith.constant 0 : i32
      %add3A_379 = arith.addi %add3A_377, %add3A_378 : i32
      %dma_wait3A_380 = arith.constant 0 : i32
      %dma_wait3A_381 = tpu.memref_slice %arg5[%add3A_379, %dma_wait3A_380] : memref<200x128xi32, #tpu.memory_space<vmem>> -> memref<1x128xi32, #tpu.memory_space<vmem>>
      %dma_wait3A_382 = tpu.memref_squeeze %dma_wait3A_381 : memref<1x128xi32, #tpu.memory_space<vmem>> -> memref<128xi32, #tpu.memory_space<vmem>>
      %dma_wait3A_383 = arith.constant 0 : i32
      %dma_wait3A_384 = arith.constant 0 : i32
      %dma_wait3A_385 = tpu.memref_slice %arg3[%dma_wait3A_383, %dma_wait3A_384] : memref<100000x128xf32, #tpu.memory_space<hbm>> -> memref<100000x128xf32, #tpu.memory_space<hbm>>
      tpu.wait_indirect_dma semaphore(%arg12 : memref<!tpu.dma_semaphore, #tpu.memory_space<semaphore_mem>>) src(%dma_wait3A_385 : memref<100000x128xf32, #tpu.memory_space<hbm>>) dst(%arg6 : memref<128x128xf32, #tpu.memory_space<vmem>>)
      %mul3A_386 = arith.constant 128 : i32
      %mul3A_387 = arith.muli %add3A_379, %mul3A_386 : i32
      %add3A_388 = arith.addi %mul3A_2, %mul3A_387 : i32
      %dma_start3A_389 = arith.constant 0 : i32
      %dma_start3A_390 = tpu.memref_slice %arg4[%add3A_388, %dma_start3A_389] : memref<819200x128xf32, #tpu.memory_space<hbm>> -> memref<128x128xf32, #tpu.memory_space<hbm>>
      %dma_start3A_391 = arith.constant 0 : i32
      %dma_start3A_392 = tpu.memref_slice %arg4[%add3A_388, %dma_start3A_391] : memref<819200x128xf32, #tpu.memory_space<hbm>> -> memref<128x128xf32, #tpu.memory_space<hbm>>
      tpu.enqueue_dma source(%arg6 : memref<128x128xf32, #tpu.memory_space<vmem>>) target(%dma_start3A_392 : memref<128x128xf32, #tpu.memory_space<hbm>>) target_semaphore(%arg18 : memref<!tpu.dma_semaphore, #tpu.memory_space<semaphore_mem>>)
      %sub3A = arith.constant 2 : i32
      %sub3A_393 = arith.subi %add3A_379, %sub3A : i32
      %mul3A_394 = arith.constant 128 : i32
      %mul3A_395 = arith.muli %sub3A_393, %mul3A_394 : i32
      %add3A_396 = arith.addi %mul3A_2, %mul3A_395 : i32
      %dma_wait3A_397 = arith.constant 0 : i32
      %dma_wait3A_398 = tpu.memref_slice %arg4[%add3A_396, %dma_wait3A_397] : memref<819200x128xf32, #tpu.memory_space<hbm>> -> memref<128x128xf32, #tpu.memory_space<hbm>>
      %dma_wait3A_399 = arith.constant 0 : i32
      %dma_wait3A_400 = tpu.memref_slice %arg4[%add3A_396, %dma_wait3A_399] : memref<819200x128xf32, #tpu.memory_space<hbm>> -> memref<128x128xf32, #tpu.memory_space<hbm>>
      tpu.wait_dma2 semaphore(%arg22 : memref<!tpu.dma_semaphore, #tpu.memory_space<semaphore_mem>>) src(%arg10 : memref<128x128xf32, #tpu.memory_space<vmem>>) dst(%dma_wait3A_400 : memref<128x128xf32, #tpu.memory_space<hbm>>)
      %add3A_401 = arith.constant 6 : i32
      %add3A_402 = arith.addi %sub3A_393, %add3A_401 : i32
      %dma_start3A_403 = arith.constant 0 : i32
      %dma_start3A_404 = tpu.memref_slice %arg5[%add3A_402, %dma_start3A_403] : memref<200x128xi32, #tpu.memory_space<vmem>> -> memref<1x128xi32, #tpu.memory_space<vmem>>
      %dma_start3A_405 = tpu.memref_squeeze %dma_start3A_404 : memref<1x128xi32, #tpu.memory_space<vmem>> -> memref<128xi32, #tpu.memory_space<vmem>>
      %dma_start3A_406 = arith.constant 0 : i32
      %dma_start3A_407 = arith.constant 0 : i32
      %dma_start3A_408 = tpu.memref_slice %arg3[%dma_start3A_406, %dma_start3A_407] : memref<100000x128xf32, #tpu.memory_space<hbm>> -> memref<100000x128xf32, #tpu.memory_space<hbm>>
      tpu.enqueue_indirect_dma source(%dma_start3A_408 : memref<100000x128xf32, #tpu.memory_space<hbm>>) target(%arg10 : memref<128x128xf32, #tpu.memory_space<vmem>>) offsets(%dma_start3A_405 : memref<128xi32, #tpu.memory_space<vmem>>) semaphore(%arg16 : memref<!tpu.dma_semaphore, #tpu.memory_space<semaphore_mem>>)
      %add3A_409 = arith.constant 1 : i32
      %add3A_410 = arith.addi %add3A_377, %add3A_409 : i32
      %dma_wait3A_411 = arith.constant 0 : i32
      %dma_wait3A_412 = tpu.memref_slice %arg5[%add3A_410, %dma_wait3A_411] : memref<200x128xi32, #tpu.memory_space<vmem>> -> memref<1x128xi32, #tpu.memory_space<vmem>>
      %dma_wait3A_413 = tpu.memref_squeeze %dma_wait3A_412 : memref<1x128xi32, #tpu.memory_space<vmem>> -> memref<128xi32, #tpu.memory_space<vmem>>
      %dma_wait3A_414 = arith.constant 0 : i32
      %dma_wait3A_415 = arith.constant 0 : i32
      %dma_wait3A_416 = tpu.memref_slice %arg3[%dma_wait3A_414, %dma_wait3A_415] : memref<100000x128xf32, #tpu.memory_space<hbm>> -> memref<100000x128xf32, #tpu.memory_space<hbm>>
      tpu.wait_indirect_dma semaphore(%arg13 : memref<!tpu.dma_semaphore, #tpu.memory_space<semaphore_mem>>) src(%dma_wait3A_416 : memref<100000x128xf32, #tpu.memory_space<hbm>>) dst(%arg7 : memref<128x128xf32, #tpu.memory_space<vmem>>)
      %mul3A_417 = arith.constant 128 : i32
      %mul3A_418 = arith.muli %add3A_410, %mul3A_417 : i32
      %add3A_419 = arith.addi %mul3A_2, %mul3A_418 : i32
      %dma_start3A_420 = arith.constant 0 : i32
      %dma_start3A_421 = tpu.memref_slice %arg4[%add3A_419, %dma_start3A_420] : memref<819200x128xf32, #tpu.memory_space<hbm>> -> memref<128x128xf32, #tpu.memory_space<hbm>>
      %dma_start3A_422 = arith.constant 0 : i32
      %dma_start3A_423 = tpu.memref_slice %arg4[%add3A_419, %dma_start3A_422] : memref<819200x128xf32, #tpu.memory_space<hbm>> -> memref<128x128xf32, #tpu.memory_space<hbm>>
      tpu.enqueue_dma source(%arg7 : memref<128x128xf32, #tpu.memory_space<vmem>>) target(%dma_start3A_423 : memref<128x128xf32, #tpu.memory_space<hbm>>) target_semaphore(%arg19 : memref<!tpu.dma_semaphore, #tpu.memory_space<semaphore_mem>>)
      %sub3A_424 = arith.constant 2 : i32
      %sub3A_425 = arith.subi %add3A_410, %sub3A_424 : i32
      %mul3A_426 = arith.constant 128 : i32
      %mul3A_427 = arith.muli %sub3A_425, %mul3A_426 : i32
      %add3A_428 = arith.addi %mul3A_2, %mul3A_427 : i32
      %dma_wait3A_429 = arith.constant 0 : i32
      %dma_wait3A_430 = tpu.memref_slice %arg4[%add3A_428, %dma_wait3A_429] : memref<819200x128xf32, #tpu.memory_space<hbm>> -> memref<128x128xf32, #tpu.memory_space<hbm>>
      %dma_wait3A_431 = arith.constant 0 : i32
      %dma_wait3A_432 = tpu.memref_slice %arg4[%add3A_428, %dma_wait3A_431] : memref<819200x128xf32, #tpu.memory_space<hbm>> -> memref<128x128xf32, #tpu.memory_space<hbm>>
      tpu.wait_dma2 semaphore(%arg23 : memref<!tpu.dma_semaphore, #tpu.memory_space<semaphore_mem>>) src(%arg11 : memref<128x128xf32, #tpu.memory_space<vmem>>) dst(%dma_wait3A_432 : memref<128x128xf32, #tpu.memory_space<hbm>>)
      %add3A_433 = arith.constant 6 : i32
      %add3A_434 = arith.addi %sub3A_425, %add3A_433 : i32
      %dma_start3A_435 = arith.constant 0 : i32
      %dma_start3A_436 = tpu.memref_slice %arg5[%add3A_434, %dma_start3A_435] : memref<200x128xi32, #tpu.memory_space<vmem>> -> memref<1x128xi32, #tpu.memory_space<vmem>>
      %dma_start3A_437 = tpu.memref_squeeze %dma_start3A_436 : memref<1x128xi32, #tpu.memory_space<vmem>> -> memref<128xi32, #tpu.memory_space<vmem>>
      %dma_start3A_438 = arith.constant 0 : i32
      %dma_start3A_439 = arith.constant 0 : i32
      %dma_start3A_440 = tpu.memref_slice %arg3[%dma_start3A_438, %dma_start3A_439] : memref<100000x128xf32, #tpu.memory_space<hbm>> -> memref<100000x128xf32, #tpu.memory_space<hbm>>
      tpu.enqueue_indirect_dma source(%dma_start3A_440 : memref<100000x128xf32, #tpu.memory_space<hbm>>) target(%arg11 : memref<128x128xf32, #tpu.memory_space<vmem>>) offsets(%dma_start3A_437 : memref<128xi32, #tpu.memory_space<vmem>>) semaphore(%arg17 : memref<!tpu.dma_semaphore, #tpu.memory_space<semaphore_mem>>)
      %add3A_441 = arith.constant 2 : i32
      %add3A_442 = arith.addi %add3A_377, %add3A_441 : i32
      %dma_wait3A_443 = arith.constant 0 : i32
      %dma_wait3A_444 = tpu.memref_slice %arg5[%add3A_442, %dma_wait3A_443] : memref<200x128xi32, #tpu.memory_space<vmem>> -> memref<1x128xi32, #tpu.memory_space<vmem>>
      %dma_wait3A_445 = tpu.memref_squeeze %dma_wait3A_444 : memref<1x128xi32, #tpu.memory_space<vmem>> -> memref<128xi32, #tpu.memory_space<vmem>>
      %dma_wait3A_446 = arith.constant 0 : i32
      %dma_wait3A_447 = arith.constant 0 : i32
      %dma_wait3A_448 = tpu.memref_slice %arg3[%dma_wait3A_446, %dma_wait3A_447] : memref<100000x128xf32, #tpu.memory_space<hbm>> -> memref<100000x128xf32, #tpu.memory_space<hbm>>
      tpu.wait_indirect_dma semaphore(%arg14 : memref<!tpu.dma_semaphore, #tpu.memory_space<semaphore_mem>>) src(%dma_wait3A_448 : memref<100000x128xf32, #tpu.memory_space<hbm>>) dst(%arg8 : memref<128x128xf32, #tpu.memory_space<vmem>>)
      %mul3A_449 = arith.constant 128 : i32
      %mul3A_450 = arith.muli %add3A_442, %mul3A_449 : i32
      %add3A_451 = arith.addi %mul3A_2, %mul3A_450 : i32
      %dma_start3A_452 = arith.constant 0 : i32
      %dma_start3A_453 = tpu.memref_slice %arg4[%add3A_451, %dma_start3A_452] : memref<819200x128xf32, #tpu.memory_space<hbm>> -> memref<128x128xf32, #tpu.memory_space<hbm>>
      %dma_start3A_454 = arith.constant 0 : i32
      %dma_start3A_455 = tpu.memref_slice %arg4[%add3A_451, %dma_start3A_454] : memref<819200x128xf32, #tpu.memory_space<hbm>> -> memref<128x128xf32, #tpu.memory_space<hbm>>
      tpu.enqueue_dma source(%arg8 : memref<128x128xf32, #tpu.memory_space<vmem>>) target(%dma_start3A_455 : memref<128x128xf32, #tpu.memory_space<hbm>>) target_semaphore(%arg20 : memref<!tpu.dma_semaphore, #tpu.memory_space<semaphore_mem>>)
      %sub3A_456 = arith.constant 2 : i32
      %sub3A_457 = arith.subi %add3A_442, %sub3A_456 : i32
      %mul3A_458 = arith.constant 128 : i32
      %mul3A_459 = arith.muli %sub3A_457, %mul3A_458 : i32
      %add3A_460 = arith.addi %mul3A_2, %mul3A_459 : i32
      %dma_wait3A_461 = arith.constant 0 : i32
      %dma_wait3A_462 = tpu.memref_slice %arg4[%add3A_460, %dma_wait3A_461] : memref<819200x128xf32, #tpu.memory_space<hbm>> -> memref<128x128xf32, #tpu.memory_space<hbm>>
      %dma_wait3A_463 = arith.constant 0 : i32
      %dma_wait3A_464 = tpu.memref_slice %arg4[%add3A_460, %dma_wait3A_463] : memref<819200x128xf32, #tpu.memory_space<hbm>> -> memref<128x128xf32, #tpu.memory_space<hbm>>
      tpu.wait_dma2 semaphore(%arg18 : memref<!tpu.dma_semaphore, #tpu.memory_space<semaphore_mem>>) src(%arg6 : memref<128x128xf32, #tpu.memory_space<vmem>>) dst(%dma_wait3A_464 : memref<128x128xf32, #tpu.memory_space<hbm>>)
      %add3A_465 = arith.constant 6 : i32
      %add3A_466 = arith.addi %sub3A_457, %add3A_465 : i32
      %dma_start3A_467 = arith.constant 0 : i32
      %dma_start3A_468 = tpu.memref_slice %arg5[%add3A_466, %dma_start3A_467] : memref<200x128xi32, #tpu.memory_space<vmem>> -> memref<1x128xi32, #tpu.memory_space<vmem>>
      %dma_start3A_469 = tpu.memref_squeeze %dma_start3A_468 : memref<1x128xi32, #tpu.memory_space<vmem>> -> memref<128xi32, #tpu.memory_space<vmem>>
      %dma_start3A_470 = arith.constant 0 : i32
      %dma_start3A_471 = arith.constant 0 : i32
      %dma_start3A_472 = tpu.memref_slice %arg3[%dma_start3A_470, %dma_start3A_471] : memref<100000x128xf32, #tpu.memory_space<hbm>> -> memref<100000x128xf32, #tpu.memory_space<hbm>>
      tpu.enqueue_indirect_dma source(%dma_start3A_472 : memref<100000x128xf32, #tpu.memory_space<hbm>>) target(%arg6 : memref<128x128xf32, #tpu.memory_space<vmem>>) offsets(%dma_start3A_469 : memref<128xi32, #tpu.memory_space<vmem>>) semaphore(%arg12 : memref<!tpu.dma_semaphore, #tpu.memory_space<semaphore_mem>>)
      %add3A_473 = arith.constant 3 : i32
      %add3A_474 = arith.addi %add3A_377, %add3A_473 : i32
      %dma_wait3A_475 = arith.constant 0 : i32
      %dma_wait3A_476 = tpu.memref_slice %arg5[%add3A_474, %dma_wait3A_475] : memref<200x128xi32, #tpu.memory_space<vmem>> -> memref<1x128xi32, #tpu.memory_space<vmem>>
      %dma_wait3A_477 = tpu.memref_squeeze %dma_wait3A_476 : memref<1x128xi32, #tpu.memory_space<vmem>> -> memref<128xi32, #tpu.memory_space<vmem>>
      %dma_wait3A_478 = arith.constant 0 : i32
      %dma_wait3A_479 = arith.constant 0 : i32
      %dma_wait3A_480 = tpu.memref_slice %arg3[%dma_wait3A_478, %dma_wait3A_479] : memref<100000x128xf32, #tpu.memory_space<hbm>> -> memref<100000x128xf32, #tpu.memory_space<hbm>>
      tpu.wait_indirect_dma semaphore(%arg15 : memref<!tpu.dma_semaphore, #tpu.memory_space<semaphore_mem>>) src(%dma_wait3A_480 : memref<100000x128xf32, #tpu.memory_space<hbm>>) dst(%arg9 : memref<128x128xf32, #tpu.memory_space<vmem>>)
      %mul3A_481 = arith.constant 128 : i32
      %mul3A_482 = arith.muli %add3A_474, %mul3A_481 : i32
      %add3A_483 = arith.addi %mul3A_2, %mul3A_482 : i32
      %dma_start3A_484 = arith.constant 0 : i32
      %dma_start3A_485 = tpu.memref_slice %arg4[%add3A_483, %dma_start3A_484] : memref<819200x128xf32, #tpu.memory_space<hbm>> -> memref<128x128xf32, #tpu.memory_space<hbm>>
      %dma_start3A_486 = arith.constant 0 : i32
      %dma_start3A_487 = tpu.memref_slice %arg4[%add3A_483, %dma_start3A_486] : memref<819200x128xf32, #tpu.memory_space<hbm>> -> memref<128x128xf32, #tpu.memory_space<hbm>>
      tpu.enqueue_dma source(%arg9 : memref<128x128xf32, #tpu.memory_space<vmem>>) target(%dma_start3A_487 : memref<128x128xf32, #tpu.memory_space<hbm>>) target_semaphore(%arg21 : memref<!tpu.dma_semaphore, #tpu.memory_space<semaphore_mem>>)
      %sub3A_488 = arith.constant 2 : i32
      %sub3A_489 = arith.subi %add3A_474, %sub3A_488 : i32
      %mul3A_490 = arith.constant 128 : i32
      %mul3A_491 = arith.muli %sub3A_489, %mul3A_490 : i32
      %add3A_492 = arith.addi %mul3A_2, %mul3A_491 : i32
      %dma_wait3A_493 = arith.constant 0 : i32
      %dma_wait3A_494 = tpu.memref_slice %arg4[%add3A_492, %dma_wait3A_493] : memref<819200x128xf32, #tpu.memory_space<hbm>> -> memref<128x128xf32, #tpu.memory_space<hbm>>
      %dma_wait3A_495 = arith.constant 0 : i32
      %dma_wait3A_496 = tpu.memref_slice %arg4[%add3A_492, %dma_wait3A_495] : memref<819200x128xf32, #tpu.memory_space<hbm>> -> memref<128x128xf32, #tpu.memory_space<hbm>>
      tpu.wait_dma2 semaphore(%arg19 : memref<!tpu.dma_semaphore, #tpu.memory_space<semaphore_mem>>) src(%arg7 : memref<128x128xf32, #tpu.memory_space<vmem>>) dst(%dma_wait3A_496 : memref<128x128xf32, #tpu.memory_space<hbm>>)
      %add3A_497 = arith.constant 6 : i32
      %add3A_498 = arith.addi %sub3A_489, %add3A_497 : i32
      %dma_start3A_499 = arith.constant 0 : i32
      %dma_start3A_500 = tpu.memref_slice %arg5[%add3A_498, %dma_start3A_499] : memref<200x128xi32, #tpu.memory_space<vmem>> -> memref<1x128xi32, #tpu.memory_space<vmem>>
      %dma_start3A_501 = tpu.memref_squeeze %dma_start3A_500 : memref<1x128xi32, #tpu.memory_space<vmem>> -> memref<128xi32, #tpu.memory_space<vmem>>
      %dma_start3A_502 = arith.constant 0 : i32
      %dma_start3A_503 = arith.constant 0 : i32
      %dma_start3A_504 = tpu.memref_slice %arg3[%dma_start3A_502, %dma_start3A_503] : memref<100000x128xf32, #tpu.memory_space<hbm>> -> memref<100000x128xf32, #tpu.memory_space<hbm>>
      tpu.enqueue_indirect_dma source(%dma_start3A_504 : memref<100000x128xf32, #tpu.memory_space<hbm>>) target(%arg7 : memref<128x128xf32, #tpu.memory_space<vmem>>) offsets(%dma_start3A_501 : memref<128xi32, #tpu.memory_space<vmem>>) semaphore(%arg13 : memref<!tpu.dma_semaphore, #tpu.memory_space<semaphore_mem>>)
      %add3A_505 = arith.constant 4 : i32
      %add3A_506 = arith.addi %add3A_377, %add3A_505 : i32
      %dma_wait3A_507 = arith.constant 0 : i32
      %dma_wait3A_508 = tpu.memref_slice %arg5[%add3A_506, %dma_wait3A_507] : memref<200x128xi32, #tpu.memory_space<vmem>> -> memref<1x128xi32, #tpu.memory_space<vmem>>
      %dma_wait3A_509 = tpu.memref_squeeze %dma_wait3A_508 : memref<1x128xi32, #tpu.memory_space<vmem>> -> memref<128xi32, #tpu.memory_space<vmem>>
      %dma_wait3A_510 = arith.constant 0 : i32
      %dma_wait3A_511 = arith.constant 0 : i32
      %dma_wait3A_512 = tpu.memref_slice %arg3[%dma_wait3A_510, %dma_wait3A_511] : memref<100000x128xf32, #tpu.memory_space<hbm>> -> memref<100000x128xf32, #tpu.memory_space<hbm>>
      tpu.wait_indirect_dma semaphore(%arg16 : memref<!tpu.dma_semaphore, #tpu.memory_space<semaphore_mem>>) src(%dma_wait3A_512 : memref<100000x128xf32, #tpu.memory_space<hbm>>) dst(%arg10 : memref<128x128xf32, #tpu.memory_space<vmem>>)
      %mul3A_513 = arith.constant 128 : i32
      %mul3A_514 = arith.muli %add3A_506, %mul3A_513 : i32
      %add3A_515 = arith.addi %mul3A_2, %mul3A_514 : i32
      %dma_start3A_516 = arith.constant 0 : i32
      %dma_start3A_517 = tpu.memref_slice %arg4[%add3A_515, %dma_start3A_516] : memref<819200x128xf32, #tpu.memory_space<hbm>> -> memref<128x128xf32, #tpu.memory_space<hbm>>
      %dma_start3A_518 = arith.constant 0 : i32
      %dma_start3A_519 = tpu.memref_slice %arg4[%add3A_515, %dma_start3A_518] : memref<819200x128xf32, #tpu.memory_space<hbm>> -> memref<128x128xf32, #tpu.memory_space<hbm>>
      tpu.enqueue_dma source(%arg10 : memref<128x128xf32, #tpu.memory_space<vmem>>) target(%dma_start3A_519 : memref<128x128xf32, #tpu.memory_space<hbm>>) target_semaphore(%arg22 : memref<!tpu.dma_semaphore, #tpu.memory_space<semaphore_mem>>)
      %sub3A_520 = arith.constant 2 : i32
      %sub3A_521 = arith.subi %add3A_506, %sub3A_520 : i32
      %mul3A_522 = arith.constant 128 : i32
      %mul3A_523 = arith.muli %sub3A_521, %mul3A_522 : i32
      %add3A_524 = arith.addi %mul3A_2, %mul3A_523 : i32
      %dma_wait3A_525 = arith.constant 0 : i32
      %dma_wait3A_526 = tpu.memref_slice %arg4[%add3A_524, %dma_wait3A_525] : memref<819200x128xf32, #tpu.memory_space<hbm>> -> memref<128x128xf32, #tpu.memory_space<hbm>>
      %dma_wait3A_527 = arith.constant 0 : i32
      %dma_wait3A_528 = tpu.memref_slice %arg4[%add3A_524, %dma_wait3A_527] : memref<819200x128xf32, #tpu.memory_space<hbm>> -> memref<128x128xf32, #tpu.memory_space<hbm>>
      tpu.wait_dma2 semaphore(%arg20 : memref<!tpu.dma_semaphore, #tpu.memory_space<semaphore_mem>>) src(%arg8 : memref<128x128xf32, #tpu.memory_space<vmem>>) dst(%dma_wait3A_528 : memref<128x128xf32, #tpu.memory_space<hbm>>)
      %add3A_529 = arith.constant 6 : i32
      %add3A_530 = arith.addi %sub3A_521, %add3A_529 : i32
      %dma_start3A_531 = arith.constant 0 : i32
      %dma_start3A_532 = tpu.memref_slice %arg5[%add3A_530, %dma_start3A_531] : memref<200x128xi32, #tpu.memory_space<vmem>> -> memref<1x128xi32, #tpu.memory_space<vmem>>
      %dma_start3A_533 = tpu.memref_squeeze %dma_start3A_532 : memref<1x128xi32, #tpu.memory_space<vmem>> -> memref<128xi32, #tpu.memory_space<vmem>>
      %dma_start3A_534 = arith.constant 0 : i32
      %dma_start3A_535 = arith.constant 0 : i32
      %dma_start3A_536 = tpu.memref_slice %arg3[%dma_start3A_534, %dma_start3A_535] : memref<100000x128xf32, #tpu.memory_space<hbm>> -> memref<100000x128xf32, #tpu.memory_space<hbm>>
      tpu.enqueue_indirect_dma source(%dma_start3A_536 : memref<100000x128xf32, #tpu.memory_space<hbm>>) target(%arg8 : memref<128x128xf32, #tpu.memory_space<vmem>>) offsets(%dma_start3A_533 : memref<128xi32, #tpu.memory_space<vmem>>) semaphore(%arg14 : memref<!tpu.dma_semaphore, #tpu.memory_space<semaphore_mem>>)
      %add3A_537 = arith.constant 5 : i32
      %add3A_538 = arith.addi %add3A_377, %add3A_537 : i32
      %dma_wait3A_539 = arith.constant 0 : i32
      %dma_wait3A_540 = tpu.memref_slice %arg5[%add3A_538, %dma_wait3A_539] : memref<200x128xi32, #tpu.memory_space<vmem>> -> memref<1x128xi32, #tpu.memory_space<vmem>>
      %dma_wait3A_541 = tpu.memref_squeeze %dma_wait3A_540 : memref<1x128xi32, #tpu.memory_space<vmem>> -> memref<128xi32, #tpu.memory_space<vmem>>
      %dma_wait3A_542 = arith.constant 0 : i32
      %dma_wait3A_543 = arith.constant 0 : i32
      %dma_wait3A_544 = tpu.memref_slice %arg3[%dma_wait3A_542, %dma_wait3A_543] : memref<100000x128xf32, #tpu.memory_space<hbm>> -> memref<100000x128xf32, #tpu.memory_space<hbm>>
      tpu.wait_indirect_dma semaphore(%arg17 : memref<!tpu.dma_semaphore, #tpu.memory_space<semaphore_mem>>) src(%dma_wait3A_544 : memref<100000x128xf32, #tpu.memory_space<hbm>>) dst(%arg11 : memref<128x128xf32, #tpu.memory_space<vmem>>)
      %mul3A_545 = arith.constant 128 : i32
      %mul3A_546 = arith.muli %add3A_538, %mul3A_545 : i32
      %add3A_547 = arith.addi %mul3A_2, %mul3A_546 : i32
      %dma_start3A_548 = arith.constant 0 : i32
      %dma_start3A_549 = tpu.memref_slice %arg4[%add3A_547, %dma_start3A_548] : memref<819200x128xf32, #tpu.memory_space<hbm>> -> memref<128x128xf32, #tpu.memory_space<hbm>>
      %dma_start3A_550 = arith.constant 0 : i32
      %dma_start3A_551 = tpu.memref_slice %arg4[%add3A_547, %dma_start3A_550] : memref<819200x128xf32, #tpu.memory_space<hbm>> -> memref<128x128xf32, #tpu.memory_space<hbm>>
      tpu.enqueue_dma source(%arg11 : memref<128x128xf32, #tpu.memory_space<vmem>>) target(%dma_start3A_551 : memref<128x128xf32, #tpu.memory_space<hbm>>) target_semaphore(%arg23 : memref<!tpu.dma_semaphore, #tpu.memory_space<semaphore_mem>>)
      %sub3A_552 = arith.constant 2 : i32
      %sub3A_553 = arith.subi %add3A_538, %sub3A_552 : i32
      %mul3A_554 = arith.constant 128 : i32
      %mul3A_555 = arith.muli %sub3A_553, %mul3A_554 : i32
      %add3A_556 = arith.addi %mul3A_2, %mul3A_555 : i32
      %dma_wait3A_557 = arith.constant 0 : i32
      %dma_wait3A_558 = tpu.memref_slice %arg4[%add3A_556, %dma_wait3A_557] : memref<819200x128xf32, #tpu.memory_space<hbm>> -> memref<128x128xf32, #tpu.memory_space<hbm>>
      %dma_wait3A_559 = arith.constant 0 : i32
      %dma_wait3A_560 = tpu.memref_slice %arg4[%add3A_556, %dma_wait3A_559] : memref<819200x128xf32, #tpu.memory_space<hbm>> -> memref<128x128xf32, #tpu.memory_space<hbm>>
      tpu.wait_dma2 semaphore(%arg21 : memref<!tpu.dma_semaphore, #tpu.memory_space<semaphore_mem>>) src(%arg9 : memref<128x128xf32, #tpu.memory_space<vmem>>) dst(%dma_wait3A_560 : memref<128x128xf32, #tpu.memory_space<hbm>>)
      %add3A_561 = arith.constant 6 : i32
      %add3A_562 = arith.addi %sub3A_553, %add3A_561 : i32
      %dma_start3A_563 = arith.constant 0 : i32
      %dma_start3A_564 = tpu.memref_slice %arg5[%add3A_562, %dma_start3A_563] : memref<200x128xi32, #tpu.memory_space<vmem>> -> memref<1x128xi32, #tpu.memory_space<vmem>>
      %dma_start3A_565 = tpu.memref_squeeze %dma_start3A_564 : memref<1x128xi32, #tpu.memory_space<vmem>> -> memref<128xi32, #tpu.memory_space<vmem>>
      %dma_start3A_566 = arith.constant 0 : i32
      %dma_start3A_567 = arith.constant 0 : i32
      %dma_start3A_568 = tpu.memref_slice %arg3[%dma_start3A_566, %dma_start3A_567] : memref<100000x128xf32, #tpu.memory_space<hbm>> -> memref<100000x128xf32, #tpu.memory_space<hbm>>
      tpu.enqueue_indirect_dma source(%dma_start3A_568 : memref<100000x128xf32, #tpu.memory_space<hbm>>) target(%arg9 : memref<128x128xf32, #tpu.memory_space<vmem>>) offsets(%dma_start3A_565 : memref<128xi32, #tpu.memory_space<vmem>>) semaphore(%arg15 : memref<!tpu.dma_semaphore, #tpu.memory_space<semaphore_mem>>)
    }
    %scan3A_176 = arith.constant 31 : i32
    %dma_wait3A_177 = arith.constant 192 : i32
    %dma_wait3A_178 = arith.constant 0 : i32
    %dma_wait3A_179 = tpu.memref_slice %arg5[%dma_wait3A_177, %dma_wait3A_178] : memref<200x128xi32, #tpu.memory_space<vmem>> -> memref<1x128xi32, #tpu.memory_space<vmem>>
    %dma_wait3A_180 = tpu.memref_squeeze %dma_wait3A_179 : memref<1x128xi32, #tpu.memory_space<vmem>> -> memref<128xi32, #tpu.memory_space<vmem>>
    %dma_wait3A_181 = arith.constant 0 : i32
    %dma_wait3A_182 = arith.constant 0 : i32
    %dma_wait3A_183 = tpu.memref_slice %arg3[%dma_wait3A_181, %dma_wait3A_182] : memref<100000x128xf32, #tpu.memory_space<hbm>> -> memref<100000x128xf32, #tpu.memory_space<hbm>>
    tpu.wait_indirect_dma semaphore(%arg12 : memref<!tpu.dma_semaphore, #tpu.memory_space<semaphore_mem>>) src(%dma_wait3A_183 : memref<100000x128xf32, #tpu.memory_space<hbm>>) dst(%arg6 : memref<128x128xf32, #tpu.memory_space<vmem>>)
    %add3A_184 = arith.constant 24576 : i32
    %add3A_185 = arith.addi %mul3A_2, %add3A_184 : i32
    %dma_start3A_186 = arith.constant 0 : i32
    %dma_start3A_187 = tpu.memref_slice %arg4[%add3A_185, %dma_start3A_186] : memref<819200x128xf32, #tpu.memory_space<hbm>> -> memref<128x128xf32, #tpu.memory_space<hbm>>
    %dma_start3A_188 = arith.constant 0 : i32
    %dma_start3A_189 = tpu.memref_slice %arg4[%add3A_185, %dma_start3A_188] : memref<819200x128xf32, #tpu.memory_space<hbm>> -> memref<128x128xf32, #tpu.memory_space<hbm>>
    tpu.enqueue_dma source(%arg6 : memref<128x128xf32, #tpu.memory_space<vmem>>) target(%dma_start3A_189 : memref<128x128xf32, #tpu.memory_space<hbm>>) target_semaphore(%arg18 : memref<!tpu.dma_semaphore, #tpu.memory_space<semaphore_mem>>)
    %add3A_190 = arith.constant 24320 : i32
    %add3A_191 = arith.addi %mul3A_2, %add3A_190 : i32
    %dma_wait3A_192 = arith.constant 0 : i32
    %dma_wait3A_193 = tpu.memref_slice %arg4[%add3A_191, %dma_wait3A_192] : memref<819200x128xf32, #tpu.memory_space<hbm>> -> memref<128x128xf32, #tpu.memory_space<hbm>>
    %dma_wait3A_194 = arith.constant 0 : i32
    %dma_wait3A_195 = tpu.memref_slice %arg4[%add3A_191, %dma_wait3A_194] : memref<819200x128xf32, #tpu.memory_space<hbm>> -> memref<128x128xf32, #tpu.memory_space<hbm>>
    tpu.wait_dma2 semaphore(%arg22 : memref<!tpu.dma_semaphore, #tpu.memory_space<semaphore_mem>>) src(%arg10 : memref<128x128xf32, #tpu.memory_space<vmem>>) dst(%dma_wait3A_195 : memref<128x128xf32, #tpu.memory_space<hbm>>)
    %dma_start3A_196 = arith.constant 196 : i32
    %dma_start3A_197 = arith.constant 0 : i32
    %dma_start3A_198 = tpu.memref_slice %arg5[%dma_start3A_196, %dma_start3A_197] : memref<200x128xi32, #tpu.memory_space<vmem>> -> memref<1x128xi32, #tpu.memory_space<vmem>>
    %dma_start3A_199 = tpu.memref_squeeze %dma_start3A_198 : memref<1x128xi32, #tpu.memory_space<vmem>> -> memref<128xi32, #tpu.memory_space<vmem>>
    %dma_start3A_200 = arith.constant 0 : i32
    %dma_start3A_201 = arith.constant 0 : i32
    %dma_start3A_202 = tpu.memref_slice %arg3[%dma_start3A_200, %dma_start3A_201] : memref<100000x128xf32, #tpu.memory_space<hbm>> -> memref<100000x128xf32, #tpu.memory_space<hbm>>
    tpu.enqueue_indirect_dma source(%dma_start3A_202 : memref<100000x128xf32, #tpu.memory_space<hbm>>) target(%arg10 : memref<128x128xf32, #tpu.memory_space<vmem>>) offsets(%dma_start3A_199 : memref<128xi32, #tpu.memory_space<vmem>>) semaphore(%arg16 : memref<!tpu.dma_semaphore, #tpu.memory_space<semaphore_mem>>)
    %dma_wait3A_203 = arith.constant 193 : i32
    %dma_wait3A_204 = arith.constant 0 : i32
    %dma_wait3A_205 = tpu.memref_slice %arg5[%dma_wait3A_203, %dma_wait3A_204] : memref<200x128xi32, #tpu.memory_space<vmem>> -> memref<1x128xi32, #tpu.memory_space<vmem>>
    %dma_wait3A_206 = tpu.memref_squeeze %dma_wait3A_205 : memref<1x128xi32, #tpu.memory_space<vmem>> -> memref<128xi32, #tpu.memory_space<vmem>>
    %dma_wait3A_207 = arith.constant 0 : i32
    %dma_wait3A_208 = arith.constant 0 : i32
    %dma_wait3A_209 = tpu.memref_slice %arg3[%dma_wait3A_207, %dma_wait3A_208] : memref<100000x128xf32, #tpu.memory_space<hbm>> -> memref<100000x128xf32, #tpu.memory_space<hbm>>
    tpu.wait_indirect_dma semaphore(%arg13 : memref<!tpu.dma_semaphore, #tpu.memory_space<semaphore_mem>>) src(%dma_wait3A_209 : memref<100000x128xf32, #tpu.memory_space<hbm>>) dst(%arg7 : memref<128x128xf32, #tpu.memory_space<vmem>>)
    %add3A_210 = arith.constant 24704 : i32
    %add3A_211 = arith.addi %mul3A_2, %add3A_210 : i32
    %dma_start3A_212 = arith.constant 0 : i32
    %dma_start3A_213 = tpu.memref_slice %arg4[%add3A_211, %dma_start3A_212] : memref<819200x128xf32, #tpu.memory_space<hbm>> -> memref<128x128xf32, #tpu.memory_space<hbm>>
    %dma_start3A_214 = arith.constant 0 : i32
    %dma_start3A_215 = tpu.memref_slice %arg4[%add3A_211, %dma_start3A_214] : memref<819200x128xf32, #tpu.memory_space<hbm>> -> memref<128x128xf32, #tpu.memory_space<hbm>>
    tpu.enqueue_dma source(%arg7 : memref<128x128xf32, #tpu.memory_space<vmem>>) target(%dma_start3A_215 : memref<128x128xf32, #tpu.memory_space<hbm>>) target_semaphore(%arg19 : memref<!tpu.dma_semaphore, #tpu.memory_space<semaphore_mem>>)
    %add3A_216 = arith.constant 24448 : i32
    %add3A_217 = arith.addi %mul3A_2, %add3A_216 : i32
    %dma_wait3A_218 = arith.constant 0 : i32
    %dma_wait3A_219 = tpu.memref_slice %arg4[%add3A_217, %dma_wait3A_218] : memref<819200x128xf32, #tpu.memory_space<hbm>> -> memref<128x128xf32, #tpu.memory_space<hbm>>
    %dma_wait3A_220 = arith.constant 0 : i32
    %dma_wait3A_221 = tpu.memref_slice %arg4[%add3A_217, %dma_wait3A_220] : memref<819200x128xf32, #tpu.memory_space<hbm>> -> memref<128x128xf32, #tpu.memory_space<hbm>>
    tpu.wait_dma2 semaphore(%arg23 : memref<!tpu.dma_semaphore, #tpu.memory_space<semaphore_mem>>) src(%arg11 : memref<128x128xf32, #tpu.memory_space<vmem>>) dst(%dma_wait3A_221 : memref<128x128xf32, #tpu.memory_space<hbm>>)
    %dma_start3A_222 = arith.constant 197 : i32
    %dma_start3A_223 = arith.constant 0 : i32
    %dma_start3A_224 = tpu.memref_slice %arg5[%dma_start3A_222, %dma_start3A_223] : memref<200x128xi32, #tpu.memory_space<vmem>> -> memref<1x128xi32, #tpu.memory_space<vmem>>
    %dma_start3A_225 = tpu.memref_squeeze %dma_start3A_224 : memref<1x128xi32, #tpu.memory_space<vmem>> -> memref<128xi32, #tpu.memory_space<vmem>>
    %dma_start3A_226 = arith.constant 0 : i32
    %dma_start3A_227 = arith.constant 0 : i32
    %dma_start3A_228 = tpu.memref_slice %arg3[%dma_start3A_226, %dma_start3A_227] : memref<100000x128xf32, #tpu.memory_space<hbm>> -> memref<100000x128xf32, #tpu.memory_space<hbm>>
    tpu.enqueue_indirect_dma source(%dma_start3A_228 : memref<100000x128xf32, #tpu.memory_space<hbm>>) target(%arg11 : memref<128x128xf32, #tpu.memory_space<vmem>>) offsets(%dma_start3A_225 : memref<128xi32, #tpu.memory_space<vmem>>) semaphore(%arg17 : memref<!tpu.dma_semaphore, #tpu.memory_space<semaphore_mem>>)
    %dma_wait3A_229 = arith.constant 194 : i32
    %dma_wait3A_230 = arith.constant 0 : i32
    %dma_wait3A_231 = tpu.memref_slice %arg5[%dma_wait3A_229, %dma_wait3A_230] : memref<200x128xi32, #tpu.memory_space<vmem>> -> memref<1x128xi32, #tpu.memory_space<vmem>>
    %dma_wait3A_232 = tpu.memref_squeeze %dma_wait3A_231 : memref<1x128xi32, #tpu.memory_space<vmem>> -> memref<128xi32, #tpu.memory_space<vmem>>
    %dma_wait3A_233 = arith.constant 0 : i32
    %dma_wait3A_234 = arith.constant 0 : i32
    %dma_wait3A_235 = tpu.memref_slice %arg3[%dma_wait3A_233, %dma_wait3A_234] : memref<100000x128xf32, #tpu.memory_space<hbm>> -> memref<100000x128xf32, #tpu.memory_space<hbm>>
    tpu.wait_indirect_dma semaphore(%arg14 : memref<!tpu.dma_semaphore, #tpu.memory_space<semaphore_mem>>) src(%dma_wait3A_235 : memref<100000x128xf32, #tpu.memory_space<hbm>>) dst(%arg8 : memref<128x128xf32, #tpu.memory_space<vmem>>)
    %add3A_236 = arith.constant 24832 : i32
    %add3A_237 = arith.addi %mul3A_2, %add3A_236 : i32
    %dma_start3A_238 = arith.constant 0 : i32
    %dma_start3A_239 = tpu.memref_slice %arg4[%add3A_237, %dma_start3A_238] : memref<819200x128xf32, #tpu.memory_space<hbm>> -> memref<128x128xf32, #tpu.memory_space<hbm>>
    %dma_start3A_240 = arith.constant 0 : i32
    %dma_start3A_241 = tpu.memref_slice %arg4[%add3A_237, %dma_start3A_240] : memref<819200x128xf32, #tpu.memory_space<hbm>> -> memref<128x128xf32, #tpu.memory_space<hbm>>
    tpu.enqueue_dma source(%arg8 : memref<128x128xf32, #tpu.memory_space<vmem>>) target(%dma_start3A_241 : memref<128x128xf32, #tpu.memory_space<hbm>>) target_semaphore(%arg20 : memref<!tpu.dma_semaphore, #tpu.memory_space<semaphore_mem>>)
    %add3A_242 = arith.constant 24576 : i32
    %add3A_243 = arith.addi %mul3A_2, %add3A_242 : i32
    %dma_wait3A_244 = arith.constant 0 : i32
    %dma_wait3A_245 = tpu.memref_slice %arg4[%add3A_243, %dma_wait3A_244] : memref<819200x128xf32, #tpu.memory_space<hbm>> -> memref<128x128xf32, #tpu.memory_space<hbm>>
    %dma_wait3A_246 = arith.constant 0 : i32
    %dma_wait3A_247 = tpu.memref_slice %arg4[%add3A_243, %dma_wait3A_246] : memref<819200x128xf32, #tpu.memory_space<hbm>> -> memref<128x128xf32, #tpu.memory_space<hbm>>
    tpu.wait_dma2 semaphore(%arg18 : memref<!tpu.dma_semaphore, #tpu.memory_space<semaphore_mem>>) src(%arg6 : memref<128x128xf32, #tpu.memory_space<vmem>>) dst(%dma_wait3A_247 : memref<128x128xf32, #tpu.memory_space<hbm>>)
    %dma_start3A_248 = arith.constant 198 : i32
    %dma_start3A_249 = arith.constant 0 : i32
    %dma_start3A_250 = tpu.memref_slice %arg5[%dma_start3A_248, %dma_start3A_249] : memref<200x128xi32, #tpu.memory_space<vmem>> -> memref<1x128xi32, #tpu.memory_space<vmem>>
    %dma_start3A_251 = tpu.memref_squeeze %dma_start3A_250 : memref<1x128xi32, #tpu.memory_space<vmem>> -> memref<128xi32, #tpu.memory_space<vmem>>
    %dma_start3A_252 = arith.constant 0 : i32
    %dma_start3A_253 = arith.constant 0 : i32
    %dma_start3A_254 = tpu.memref_slice %arg3[%dma_start3A_252, %dma_start3A_253] : memref<100000x128xf32, #tpu.memory_space<hbm>> -> memref<100000x128xf32, #tpu.memory_space<hbm>>
    tpu.enqueue_indirect_dma source(%dma_start3A_254 : memref<100000x128xf32, #tpu.memory_space<hbm>>) target(%arg6 : memref<128x128xf32, #tpu.memory_space<vmem>>) offsets(%dma_start3A_251 : memref<128xi32, #tpu.memory_space<vmem>>) semaphore(%arg12 : memref<!tpu.dma_semaphore, #tpu.memory_space<semaphore_mem>>)
    %dma_wait3A_255 = arith.constant 195 : i32
    %dma_wait3A_256 = arith.constant 0 : i32
    %dma_wait3A_257 = tpu.memref_slice %arg5[%dma_wait3A_255, %dma_wait3A_256] : memref<200x128xi32, #tpu.memory_space<vmem>> -> memref<1x128xi32, #tpu.memory_space<vmem>>
    %dma_wait3A_258 = tpu.memref_squeeze %dma_wait3A_257 : memref<1x128xi32, #tpu.memory_space<vmem>> -> memref<128xi32, #tpu.memory_space<vmem>>
    %dma_wait3A_259 = arith.constant 0 : i32
    %dma_wait3A_260 = arith.constant 0 : i32
    %dma_wait3A_261 = tpu.memref_slice %arg3[%dma_wait3A_259, %dma_wait3A_260] : memref<100000x128xf32, #tpu.memory_space<hbm>> -> memref<100000x128xf32, #tpu.memory_space<hbm>>
    tpu.wait_indirect_dma semaphore(%arg15 : memref<!tpu.dma_semaphore, #tpu.memory_space<semaphore_mem>>) src(%dma_wait3A_261 : memref<100000x128xf32, #tpu.memory_space<hbm>>) dst(%arg9 : memref<128x128xf32, #tpu.memory_space<vmem>>)
    %add3A_262 = arith.constant 24960 : i32
    %add3A_263 = arith.addi %mul3A_2, %add3A_262 : i32
    %dma_start3A_264 = arith.constant 0 : i32
    %dma_start3A_265 = tpu.memref_slice %arg4[%add3A_263, %dma_start3A_264] : memref<819200x128xf32, #tpu.memory_space<hbm>> -> memref<128x128xf32, #tpu.memory_space<hbm>>
    %dma_start3A_266 = arith.constant 0 : i32
    %dma_start3A_267 = tpu.memref_slice %arg4[%add3A_263, %dma_start3A_266] : memref<819200x128xf32, #tpu.memory_space<hbm>> -> memref<128x128xf32, #tpu.memory_space<hbm>>
    tpu.enqueue_dma source(%arg9 : memref<128x128xf32, #tpu.memory_space<vmem>>) target(%dma_start3A_267 : memref<128x128xf32, #tpu.memory_space<hbm>>) target_semaphore(%arg21 : memref<!tpu.dma_semaphore, #tpu.memory_space<semaphore_mem>>)
    %add3A_268 = arith.constant 24704 : i32
    %add3A_269 = arith.addi %mul3A_2, %add3A_268 : i32
    %dma_wait3A_270 = arith.constant 0 : i32
    %dma_wait3A_271 = tpu.memref_slice %arg4[%add3A_269, %dma_wait3A_270] : memref<819200x128xf32, #tpu.memory_space<hbm>> -> memref<128x128xf32, #tpu.memory_space<hbm>>
    %dma_wait3A_272 = arith.constant 0 : i32
    %dma_wait3A_273 = tpu.memref_slice %arg4[%add3A_269, %dma_wait3A_272] : memref<819200x128xf32, #tpu.memory_space<hbm>> -> memref<128x128xf32, #tpu.memory_space<hbm>>
    tpu.wait_dma2 semaphore(%arg19 : memref<!tpu.dma_semaphore, #tpu.memory_space<semaphore_mem>>) src(%arg7 : memref<128x128xf32, #tpu.memory_space<vmem>>) dst(%dma_wait3A_273 : memref<128x128xf32, #tpu.memory_space<hbm>>)
    %dma_start3A_274 = arith.constant 199 : i32
    %dma_start3A_275 = arith.constant 0 : i32
    %dma_start3A_276 = tpu.memref_slice %arg5[%dma_start3A_274, %dma_start3A_275] : memref<200x128xi32, #tpu.memory_space<vmem>> -> memref<1x128xi32, #tpu.memory_space<vmem>>
    %dma_start3A_277 = tpu.memref_squeeze %dma_start3A_276 : memref<1x128xi32, #tpu.memory_space<vmem>> -> memref<128xi32, #tpu.memory_space<vmem>>
    %dma_start3A_278 = arith.constant 0 : i32
    %dma_start3A_279 = arith.constant 0 : i32
    %dma_start3A_280 = tpu.memref_slice %arg3[%dma_start3A_278, %dma_start3A_279] : memref<100000x128xf32, #tpu.memory_space<hbm>> -> memref<100000x128xf32, #tpu.memory_space<hbm>>
    tpu.enqueue_indirect_dma source(%dma_start3A_280 : memref<100000x128xf32, #tpu.memory_space<hbm>>) target(%arg7 : memref<128x128xf32, #tpu.memory_space<vmem>>) offsets(%dma_start3A_277 : memref<128xi32, #tpu.memory_space<vmem>>) semaphore(%arg13 : memref<!tpu.dma_semaphore, #tpu.memory_space<semaphore_mem>>)
    %dma_wait3A_281 = arith.constant 196 : i32
    %dma_wait3A_282 = arith.constant 0 : i32
    %dma_wait3A_283 = tpu.memref_slice %arg5[%dma_wait3A_281, %dma_wait3A_282] : memref<200x128xi32, #tpu.memory_space<vmem>> -> memref<1x128xi32, #tpu.memory_space<vmem>>
    %dma_wait3A_284 = tpu.memref_squeeze %dma_wait3A_283 : memref<1x128xi32, #tpu.memory_space<vmem>> -> memref<128xi32, #tpu.memory_space<vmem>>
    %dma_wait3A_285 = arith.constant 0 : i32
    %dma_wait3A_286 = arith.constant 0 : i32
    %dma_wait3A_287 = tpu.memref_slice %arg3[%dma_wait3A_285, %dma_wait3A_286] : memref<100000x128xf32, #tpu.memory_space<hbm>> -> memref<100000x128xf32, #tpu.memory_space<hbm>>
    tpu.wait_indirect_dma semaphore(%arg16 : memref<!tpu.dma_semaphore, #tpu.memory_space<semaphore_mem>>) src(%dma_wait3A_287 : memref<100000x128xf32, #tpu.memory_space<hbm>>) dst(%arg10 : memref<128x128xf32, #tpu.memory_space<vmem>>)
    %add3A_288 = arith.constant 25088 : i32
    %add3A_289 = arith.addi %mul3A_2, %add3A_288 : i32
    %dma_start3A_290 = arith.constant 0 : i32
    %dma_start3A_291 = tpu.memref_slice %arg4[%add3A_289, %dma_start3A_290] : memref<819200x128xf32, #tpu.memory_space<hbm>> -> memref<128x128xf32, #tpu.memory_space<hbm>>
    %dma_start3A_292 = arith.constant 0 : i32
    %dma_start3A_293 = tpu.memref_slice %arg4[%add3A_289, %dma_start3A_292] : memref<819200x128xf32, #tpu.memory_space<hbm>> -> memref<128x128xf32, #tpu.memory_space<hbm>>
    tpu.enqueue_dma source(%arg10 : memref<128x128xf32, #tpu.memory_space<vmem>>) target(%dma_start3A_293 : memref<128x128xf32, #tpu.memory_space<hbm>>) target_semaphore(%arg22 : memref<!tpu.dma_semaphore, #tpu.memory_space<semaphore_mem>>)
    %add3A_294 = arith.constant 24832 : i32
    %add3A_295 = arith.addi %mul3A_2, %add3A_294 : i32
    %dma_wait3A_296 = arith.constant 0 : i32
    %dma_wait3A_297 = tpu.memref_slice %arg4[%add3A_295, %dma_wait3A_296] : memref<819200x128xf32, #tpu.memory_space<hbm>> -> memref<128x128xf32, #tpu.memory_space<hbm>>
    %dma_wait3A_298 = arith.constant 0 : i32
    %dma_wait3A_299 = tpu.memref_slice %arg4[%add3A_295, %dma_wait3A_298] : memref<819200x128xf32, #tpu.memory_space<hbm>> -> memref<128x128xf32, #tpu.memory_space<hbm>>
    tpu.wait_dma2 semaphore(%arg20 : memref<!tpu.dma_semaphore, #tpu.memory_space<semaphore_mem>>) src(%arg8 : memref<128x128xf32, #tpu.memory_space<vmem>>) dst(%dma_wait3A_299 : memref<128x128xf32, #tpu.memory_space<hbm>>)
    %dma_wait3A_300 = arith.constant 197 : i32
    %dma_wait3A_301 = arith.constant 0 : i32
    %dma_wait3A_302 = tpu.memref_slice %arg5[%dma_wait3A_300, %dma_wait3A_301] : memref<200x128xi32, #tpu.memory_space<vmem>> -> memref<1x128xi32, #tpu.memory_space<vmem>>
    %dma_wait3A_303 = tpu.memref_squeeze %dma_wait3A_302 : memref<1x128xi32, #tpu.memory_space<vmem>> -> memref<128xi32, #tpu.memory_space<vmem>>
    %dma_wait3A_304 = arith.constant 0 : i32
    %dma_wait3A_305 = arith.constant 0 : i32
    %dma_wait3A_306 = tpu.memref_slice %arg3[%dma_wait3A_304, %dma_wait3A_305] : memref<100000x128xf32, #tpu.memory_space<hbm>> -> memref<100000x128xf32, #tpu.memory_space<hbm>>
    tpu.wait_indirect_dma semaphore(%arg17 : memref<!tpu.dma_semaphore, #tpu.memory_space<semaphore_mem>>) src(%dma_wait3A_306 : memref<100000x128xf32, #tpu.memory_space<hbm>>) dst(%arg11 : memref<128x128xf32, #tpu.memory_space<vmem>>)
    %add3A_307 = arith.constant 25216 : i32
    %add3A_308 = arith.addi %mul3A_2, %add3A_307 : i32
    %dma_start3A_309 = arith.constant 0 : i32
    %dma_start3A_310 = tpu.memref_slice %arg4[%add3A_308, %dma_start3A_309] : memref<819200x128xf32, #tpu.memory_space<hbm>> -> memref<128x128xf32, #tpu.memory_space<hbm>>
    %dma_start3A_311 = arith.constant 0 : i32
    %dma_start3A_312 = tpu.memref_slice %arg4[%add3A_308, %dma_start3A_311] : memref<819200x128xf32, #tpu.memory_space<hbm>> -> memref<128x128xf32, #tpu.memory_space<hbm>>
    tpu.enqueue_dma source(%arg11 : memref<128x128xf32, #tpu.memory_space<vmem>>) target(%dma_start3A_312 : memref<128x128xf32, #tpu.memory_space<hbm>>) target_semaphore(%arg23 : memref<!tpu.dma_semaphore, #tpu.memory_space<semaphore_mem>>)
    %add3A_313 = arith.constant 24960 : i32
    %add3A_314 = arith.addi %mul3A_2, %add3A_313 : i32
    %dma_wait3A_315 = arith.constant 0 : i32
    %dma_wait3A_316 = tpu.memref_slice %arg4[%add3A_314, %dma_wait3A_315] : memref<819200x128xf32, #tpu.memory_space<hbm>> -> memref<128x128xf32, #tpu.memory_space<hbm>>
    %dma_wait3A_317 = arith.constant 0 : i32
    %dma_wait3A_318 = tpu.memref_slice %arg4[%add3A_314, %dma_wait3A_317] : memref<819200x128xf32, #tpu.memory_space<hbm>> -> memref<128x128xf32, #tpu.memory_space<hbm>>
    tpu.wait_dma2 semaphore(%arg21 : memref<!tpu.dma_semaphore, #tpu.memory_space<semaphore_mem>>) src(%arg9 : memref<128x128xf32, #tpu.memory_space<vmem>>) dst(%dma_wait3A_318 : memref<128x128xf32, #tpu.memory_space<hbm>>)
    %dma_wait3A_319 = arith.constant 198 : i32
    %dma_wait3A_320 = arith.constant 0 : i32
    %dma_wait3A_321 = tpu.memref_slice %arg5[%dma_wait3A_319, %dma_wait3A_320] : memref<200x128xi32, #tpu.memory_space<vmem>> -> memref<1x128xi32, #tpu.memory_space<vmem>>
    %dma_wait3A_322 = tpu.memref_squeeze %dma_wait3A_321 : memref<1x128xi32, #tpu.memory_space<vmem>> -> memref<128xi32, #tpu.memory_space<vmem>>
    %dma_wait3A_323 = arith.constant 0 : i32
    %dma_wait3A_324 = arith.constant 0 : i32
    %dma_wait3A_325 = tpu.memref_slice %arg3[%dma_wait3A_323, %dma_wait3A_324] : memref<100000x128xf32, #tpu.memory_space<hbm>> -> memref<100000x128xf32, #tpu.memory_space<hbm>>
    tpu.wait_indirect_dma semaphore(%arg12 : memref<!tpu.dma_semaphore, #tpu.memory_space<semaphore_mem>>) src(%dma_wait3A_325 : memref<100000x128xf32, #tpu.memory_space<hbm>>) dst(%arg6 : memref<128x128xf32, #tpu.memory_space<vmem>>)
    %add3A_326 = arith.constant 25344 : i32
    %add3A_327 = arith.addi %mul3A_2, %add3A_326 : i32
    %dma_start3A_328 = arith.constant 0 : i32
    %dma_start3A_329 = tpu.memref_slice %arg4[%add3A_327, %dma_start3A_328] : memref<819200x128xf32, #tpu.memory_space<hbm>> -> memref<128x128xf32, #tpu.memory_space<hbm>>
    %dma_start3A_330 = arith.constant 0 : i32
    %dma_start3A_331 = tpu.memref_slice %arg4[%add3A_327, %dma_start3A_330] : memref<819200x128xf32, #tpu.memory_space<hbm>> -> memref<128x128xf32, #tpu.memory_space<hbm>>
    tpu.enqueue_dma source(%arg6 : memref<128x128xf32, #tpu.memory_space<vmem>>) target(%dma_start3A_331 : memref<128x128xf32, #tpu.memory_space<hbm>>) target_semaphore(%arg18 : memref<!tpu.dma_semaphore, #tpu.memory_space<semaphore_mem>>)
    %add3A_332 = arith.constant 25088 : i32
    %add3A_333 = arith.addi %mul3A_2, %add3A_332 : i32
    %dma_wait3A_334 = arith.constant 0 : i32
    %dma_wait3A_335 = tpu.memref_slice %arg4[%add3A_333, %dma_wait3A_334] : memref<819200x128xf32, #tpu.memory_space<hbm>> -> memref<128x128xf32, #tpu.memory_space<hbm>>
    %dma_wait3A_336 = arith.constant 0 : i32
    %dma_wait3A_337 = tpu.memref_slice %arg4[%add3A_333, %dma_wait3A_336] : memref<819200x128xf32, #tpu.memory_space<hbm>> -> memref<128x128xf32, #tpu.memory_space<hbm>>
    tpu.wait_dma2 semaphore(%arg22 : memref<!tpu.dma_semaphore, #tpu.memory_space<semaphore_mem>>) src(%arg10 : memref<128x128xf32, #tpu.memory_space<vmem>>) dst(%dma_wait3A_337 : memref<128x128xf32, #tpu.memory_space<hbm>>)
    %dma_wait3A_338 = arith.constant 199 : i32
    %dma_wait3A_339 = arith.constant 0 : i32
    %dma_wait3A_340 = tpu.memref_slice %arg5[%dma_wait3A_338, %dma_wait3A_339] : memref<200x128xi32, #tpu.memory_space<vmem>> -> memref<1x128xi32, #tpu.memory_space<vmem>>
    %dma_wait3A_341 = tpu.memref_squeeze %dma_wait3A_340 : memref<1x128xi32, #tpu.memory_space<vmem>> -> memref<128xi32, #tpu.memory_space<vmem>>
    %dma_wait3A_342 = arith.constant 0 : i32
    %dma_wait3A_343 = arith.constant 0 : i32
    %dma_wait3A_344 = tpu.memref_slice %arg3[%dma_wait3A_342, %dma_wait3A_343] : memref<100000x128xf32, #tpu.memory_space<hbm>> -> memref<100000x128xf32, #tpu.memory_space<hbm>>
    tpu.wait_indirect_dma semaphore(%arg13 : memref<!tpu.dma_semaphore, #tpu.memory_space<semaphore_mem>>) src(%dma_wait3A_344 : memref<100000x128xf32, #tpu.memory_space<hbm>>) dst(%arg7 : memref<128x128xf32, #tpu.memory_space<vmem>>)
    %add3A_345 = arith.constant 25472 : i32
    %add3A_346 = arith.addi %mul3A_2, %add3A_345 : i32
    %dma_start3A_347 = arith.constant 0 : i32
    %dma_start3A_348 = tpu.memref_slice %arg4[%add3A_346, %dma_start3A_347] : memref<819200x128xf32, #tpu.memory_space<hbm>> -> memref<128x128xf32, #tpu.memory_space<hbm>>
    %dma_start3A_349 = arith.constant 0 : i32
    %dma_start3A_350 = tpu.memref_slice %arg4[%add3A_346, %dma_start3A_349] : memref<819200x128xf32, #tpu.memory_space<hbm>> -> memref<128x128xf32, #tpu.memory_space<hbm>>
    tpu.enqueue_dma source(%arg7 : memref<128x128xf32, #tpu.memory_space<vmem>>) target(%dma_start3A_350 : memref<128x128xf32, #tpu.memory_space<hbm>>) target_semaphore(%arg19 : memref<!tpu.dma_semaphore, #tpu.memory_space<semaphore_mem>>)
    %add3A_351 = arith.constant 25216 : i32
    %add3A_352 = arith.addi %mul3A_2, %add3A_351 : i32
    %dma_wait3A_353 = arith.constant 0 : i32
    %dma_wait3A_354 = tpu.memref_slice %arg4[%add3A_352, %dma_wait3A_353] : memref<819200x128xf32, #tpu.memory_space<hbm>> -> memref<128x128xf32, #tpu.memory_space<hbm>>
    %dma_wait3A_355 = arith.constant 0 : i32
    %dma_wait3A_356 = tpu.memref_slice %arg4[%add3A_352, %dma_wait3A_355] : memref<819200x128xf32, #tpu.memory_space<hbm>> -> memref<128x128xf32, #tpu.memory_space<hbm>>
    tpu.wait_dma2 semaphore(%arg23 : memref<!tpu.dma_semaphore, #tpu.memory_space<semaphore_mem>>) src(%arg11 : memref<128x128xf32, #tpu.memory_space<vmem>>) dst(%dma_wait3A_356 : memref<128x128xf32, #tpu.memory_space<hbm>>)
    %add3A_357 = arith.constant 25344 : i32
    %add3A_358 = arith.addi %mul3A_2, %add3A_357 : i32
    %dma_wait3A_359 = arith.constant 0 : i32
    %dma_wait3A_360 = tpu.memref_slice %arg4[%add3A_358, %dma_wait3A_359] : memref<819200x128xf32, #tpu.memory_space<hbm>> -> memref<128x128xf32, #tpu.memory_space<hbm>>
    %dma_wait3A_361 = arith.constant 0 : i32
    %dma_wait3A_362 = tpu.memref_slice %arg4[%add3A_358, %dma_wait3A_361] : memref<819200x128xf32, #tpu.memory_space<hbm>> -> memref<128x128xf32, #tpu.memory_space<hbm>>
    tpu.wait_dma2 semaphore(%arg18 : memref<!tpu.dma_semaphore, #tpu.memory_space<semaphore_mem>>) src(%arg6 : memref<128x128xf32, #tpu.memory_space<vmem>>) dst(%dma_wait3A_362 : memref<128x128xf32, #tpu.memory_space<hbm>>)
    %add3A_363 = arith.constant 25472 : i32
    %add3A_364 = arith.addi %mul3A_2, %add3A_363 : i32
    %dma_wait3A_365 = arith.constant 0 : i32
    %dma_wait3A_366 = tpu.memref_slice %arg4[%add3A_364, %dma_wait3A_365] : memref<819200x128xf32, #tpu.memory_space<hbm>> -> memref<128x128xf32, #tpu.memory_space<hbm>>
    %dma_wait3A_367 = arith.constant 0 : i32
    %dma_wait3A_368 = tpu.memref_slice %arg4[%add3A_364, %dma_wait3A_367] : memref<819200x128xf32, #tpu.memory_space<hbm>> -> memref<128x128xf32, #tpu.memory_space<hbm>>
    tpu.wait_dma2 semaphore(%arg19 : memref<!tpu.dma_semaphore, #tpu.memory_space<semaphore_mem>>) src(%arg7 : memref<128x128xf32, #tpu.memory_space<vmem>>) dst(%dma_wait3A_368 : memref<128x128xf32, #tpu.memory_space<hbm>>)
    return
  }
}

</mosaic_0001>

<sc_bundles>
// kernel: _emb_lookup.3.cloned.1.call-start
scs
__scs_entry_jumppad:
0x0: {  	(pc) =	sbr.rel $0x88, $3  }
0x1: {  	(tag) =	ssettag $0x0;
	lr =	simm.s32 $0x1  }
0x2: {  	[smem:$0x3F9F] =	sst lr;
	_ =	strace $0xD0000000  }
0x3: {  	_ = 	snop  }
0x4: {  	_ = 	snop  }
0x5: {  	_ = 	snop  }
0x6: {  	_ = 	snop  }
0x7: {  	_ = 	snop  }
__scs_overlays_trampoline_lowered:
0x8: {  	[smem:$0x3FAE] =	sst s0  }
0x9: {  	[smem:$0x3FAF] =	sst s1  }
0xa: {  	[smem:$0x3FB0] =	sst s2  }
0xb: {  	[smem:$0x3FB1] =	sst s3  }
0xc: {  	[smem:$0x3FB2] =	sst s4  }
0xd: {  	[smem:$0x3FB3] =	sst s5  }
0xe: {  	[smem:$0x3FB4] =	sst s6  }
0xf: {  	[smem:$0x3FB5] =	sst s7  }
0x10: {  	[smem:$0x3FB6] =	sst s8  }
0x11: {  	[smem:$0x3FB7] =	sst s9;
	s0 =	simm.s32 @!p0 $0x0  }
0x12: {  	s1 =	sld [smem:$0x3F9D];
	s0 =	simm.s32 @p0 $0x1  }
0x13: {  	[smem:$0x3FB8] =	sst s0;
	s0 =	simm.s32 @!p1 $0x0  }
0x14: {  	s2 =	sld [smem:$0x3F9C];
	s0 =	simm.s32 @p1 $0x1  }
0x15: {  	[smem:$0x3FB9] =	sst s0;
	s0 =	simm.s32 @!p2 $0x0  }
0x16: {  	s3 =	sld [smem:$0x3FDB];
	s0 =	simm.s32 @p2 $0x1  }
0x17: {  	s4 =	simm.s32 $0x1BF5;
	[smem:$0x3FBB] =	sst s0  }
0x18: {  	s0 =	sld [smem:$0x3F9E];
	_ =	swait.ge [sflag:s4], $0x0  }
0x19: {  	s7 =	sld [smem:$0x3F9F]  }
0x1a: {  	s8 =	sadd.s32 $0xFFFFE003, lr  }
0x1b: {  	s9 =	sadd.s32 $0xFFFFFEF7, lr;
	s5 =	simm.s32 $0xFFFFFFFF;
	p2 =	slt.u32 s8, $0xFFFFF086  }
0x1c: {  	p1 =	slt.u32 s9, $0xF7A;
	s5 =	simm.s32 @!p2 $0x0  }
0x1d: {  	s5 =	simm.s32 @p1 $0x1;
	p0 =	seq.s32 s7, s2  }
0x1e: {  	s7 =	smul.u32 @!p0 $0xF7A, s2;
	p2 =	seq.s32 @!p0 s5, $0x0  }
0x1f: {  	s9 =	smul.u32 $0xF7A, s1;
	s8 =	simm.s32 @!p0 $0x1BF5;
	p2 =	por !p2, p0  }
0x20: {  	[sflag:s8] =	ssyncset.s32 @!p0 $0xFFFFF086;
	s6 =	sadd.s32 @!p0 s3, s7;
	s7 =	simm.s32 @!p0 $0x108  }
0x21: {  	s3 =	sadd.s32 s3, s9;
	s6 =	sadd.s32 @!p0 $0x88, s6;
	s7 =	simm.s32 @p2 $0x1082  }
0x22: {  	[simem:s7], [sflag:s8] =	dma.local @!p0 [hbm:s6], $0xF7A  }
0x23: {  	s9 =	sor.u32 $0xD0000000, s2;
	s6 =	simm.s32 $0x108;
	_ =	swait.ge @!p0 [sflag:s8], $0x0  }
0x24: {  	s3 =	sadd.s32 $0x88, s3;
	s6 =	simm.s32 @!p1 $0x1082;
	[sflag:s4] =	ssyncset.s32 $0xFFFFF086  }
0x25: {  	[simem:s6], [sflag:s4] =	dma.local [hbm:s3], $0xF7A  }
0x26: {  	[smem:$0x3F9F] =	sst s1;
	(tag) =	ssettag s2;
	_ =	strace s9  }
0x27: {  	s1 =	sld [smem:$0x3FAF]  }
0x28: {  	s2 =	sld [smem:$0x3FB0]  }
0x29: {  	s4 =	sld [smem:$0x3FB2]  }
0x2a: {  	p0 =	seq.s32 s5, $0x0;
	s5 =	sld [smem:$0x3FB3]  }
0x2b: {  	s6 =	sld [smem:$0x3FB4]  }
0x2c: {  	s7 =	sld [smem:$0x3FB5]  }
0x2d: {  	s3 =	simm.s32 $0x108;
	s8 =	sld [smem:$0x3FB6]  }
0x2e: {  	s3 =	simm.s32 @!p0 $0x1082;
	s9 =	sld [smem:$0x3FB7]  }
0x2f: {  	lr =	sadd.s32 s0, s3;
	s0 =	sld [smem:$0x3FAE]  }
0x30: {  	s3 =	sld [smem:$0x3FB1]  }
0x31: {  	[smem:$0x3FBA] =	sst s10  }
0x32: {  	s10 =	sld [smem:$0x3FB8];
	_ =	sdelay $0x3  }
0x33: {  	p0 =	seq.s32 s10, $0x1;
	s10 =	sld [smem:$0x3FBA];
	_ =	sdelay $0x3  }
0x34: {  	[smem:$0x3FBA] =	sst s10  }
0x35: {  	s10 =	sld [smem:$0x3FB9];
	_ =	sdelay $0x3  }
0x36: {  	p1 =	seq.s32 s10, $0x1;
	s10 =	sld [smem:$0x3FBA];
	_ =	sdelay $0x3  }
0x37: {  	[smem:$0x3FBA] =	sst s10  }
0x38: {  	s10 =	sld [smem:$0x3FBB]  }
0x39: {  	_ = 	snop;
	(pc) =	sbr.ind lr, $3  }
0x3a: {  	_ = 	snop  }
0x3b: {  	_ = 	snop  }
0x3c: {  	p2 =	seq.s32 s10, $0x1;
	s10 =	sld [smem:$0x3FBA]  }
0x3d: {  	_ =	shalt  }
0x3e: {  	_ =	shalt  }
0x3f: {  	_ =	shalt  }
0x40: {  	_ =	shalt  }
0x41: {  	_ =	shalt  }
0x42: {  	_ =	shalt  }
0x43: {  	_ =	shalt  }
0x44: {  	_ =	shalt  }
0x45: {  	_ =	shalt  }
0x46: {  	_ =	shalt  }
0x47: {  	_ =	shalt  }
0x48: {  	_ =	shalt  }
0x49: {  	_ =	shalt  }
0x4a: {  	_ =	shalt  }
0x4b: {  	_ =	shalt  }
0x4c: {  	_ =	shalt  }
0x4d: {  	_ =	shalt  }
0x4e: {  	_ =	shalt  }
0x4f: {  	_ =	shalt  }
0x50: {  	_ =	shalt  }
0x51: {  	_ =	shalt  }
0x52: {  	_ =	shalt  }
0x53: {  	_ =	shalt  }
0x54: {  	_ =	shalt  }
0x55: {  	_ =	shalt  }
0x56: {  	_ =	shalt  }
0x57: {  	_ =	shalt  }
0x58: {  	_ =	shalt  }
0x59: {  	_ =	shalt  }
0x5a: {  	_ =	shalt  }
0x5b: {  	_ =	shalt  }
0x5c: {  	_ =	shalt  }
0x5d: {  	_ =	shalt  }
0x5e: {  	_ =	shalt  }
0x5f: {  	_ =	shalt  }
0x60: {  	_ =	shalt  }
0x61: {  	_ =	shalt  }
0x62: {  	_ =	shalt  }
0x63: {  	_ =	shalt  }
0x64: {  	_ =	shalt  }
0x65: {  	_ =	shalt  }
0x66: {  	_ =	shalt  }
0x67: {  	_ =	shalt  }
0x68: {  	_ =	shalt  }
0x69: {  	_ =	shalt  }
0x6a: {  	_ =	shalt  }
0x6b: {  	_ =	shalt  }
0x6c: {  	_ =	shalt  }
0x6d: {  	_ =	shalt  }
0x6e: {  	_ =	shalt  }
0x6f: {  	_ =	shalt  }
0x70: {  	_ =	shalt  }
0x71: {  	_ =	shalt  }
0x72: {  	_ =	shalt  }
0x73: {  	_ =	shalt  }
0x74: {  	_ =	shalt  }
0x75: {  	_ =	shalt  }
0x76: {  	_ =	shalt  }
0x77: {  	_ =	shalt  }
0x78: {  	_ =	shalt  }
0x79: {  	_ =	shalt  }
0x7a: {  	_ =	shalt  }
0x7b: {  	_ =	shalt  }
0x7c: {  	_ =	shalt  }
0x7d: {  	_ =	shalt  }
0x7e: {  	_ =	shalt  }
0x7f: {  	_ =	shalt  }
0x80: {  	_ =	shalt  }
0x81: {  	_ =	shalt  }
0x82: {  	_ =	shalt  }
0x83: {  	_ =	shalt  }
0x84: {  	_ =	shalt  }
0x85: {  	_ =	shalt  }
0x86: {  	_ =	shalt  }
0x87: {  	_ =	shalt  }
.Lfunc_end0:
.L_simem_size_0:
called_computation_lowered:
.L_overlay_start_0:
0x88: {  	s2 =	sld [smem:$0x3FD9]  }
0x89: {  	s3 =	sld [smem:$0x3FFE];
	_ =	sdelay $0x1  }
0x8a: {  	s1 =	srdreg.scid  }
0x8b: {  	s0 =	sand.u32 $0x1, s1  }
0x8c: {  	s18 =	sshll.u32 s0, $0xA;
	s2 =	sadd.s32 s3, s2  }
0x8d: {  	s2 =	sadd.s32 s2, s18  }
0x8e: {  	[smem:$0x3FC6] =	sst s2  }
0x8f: {  	_ = 	snop  }
0x90: {  	s2 =	sld [smem:$0x3FC9]  }
0x91: {  	s19 =	sld [smem:$0x3FC8]  }
0x92: {  	s4 =	sld [smem:$0x3FD0];
	(tm) =	ssettm $0x1  }
0x93: {  	s5 =	sld [smem:$0x3FFB];
	_ =	sdelay $0x3  }
0x94: {  	_ =	strace s5  }
0x95: {  	s5 =	sld [smem:$0x3FFC];
	_ =	sdelay $0x3  }
0x96: {  	_ =	strace s5  }
0x97: {  	s5 =	sld [smem:$0x3FFD];
	_ =	sdelay $0x3  }
0x98: {  	_ =	strace s5  }
0x99: {  	_ =	strace $0x8FFFFFFF  }
0x9a: {  	s20 =	sld [smem:$0x3FDB];
	_ =	sdelay $0x1  }
0x9b: {  	s6 =	simm.s32 $_scs_section_size  }
0x9c: {  	s7 =	simm.s32 $_size__tile_overlayer_lowered;
	s8 =	simm.s32 $_tile_overlayer_lowered  }
0x9d: {  	s23 =	simm.s32 $0x1BFF;
	s22 =	sshll.u32 s8, $0x1;
	s5 =	sadd.s32 s6, s20  }
0x9e: {  	s9 =	simm.s32 $0x0;
	s21 =	sshll.u32 s7, $0x1;
	s7 =	sadd.s32 s22, s5  }
0x9f: {  	[timem:s9], [sflag:s23] =	dma.local [hbm:s7], s21  }
0xa0: {  	_ =	swait.ge [sflag:s23], s21  }
0xa1: {  	s6 =	ssub.s32 $0x0, s21;
	[sflag:s23] =	ssyncset.done $0x0  }
0xa2: {  	[sflag:s23] =	ssyncadd.s32 s6;
	_ =	sdelay $0x1  }
0xa3: {  	s24 =	simm.s32 $0x1B8B  }
0xa4: {  	_ =	swait.ge [sflag:s24], $0x1  }
0xa5: {  	[sflag:s24] =	ssyncset.done $0x0  }
0xa6: {  	s25 =	simm.s32 $0x1B8E;
	[sflag:s24] =	ssyncadd.s32 $0xFFFFFFFF  }
0xa7: {  	s26 =	simm.s32 $execute0_lowered;
	[smem:$0x3FD2] =	sst s25  }
0xa8: {  	s6 =	sshll.u32 s26, $0x1;
	_ =	strace $0x80000046;
	[dreg:$0x1] =	wrdreg $0xFFFFFFFF  }
0xa9: {  	s28 =	simm.s32 $_size_execute0_lowered;
	s5 =	sadd.s32 s5, s6;
	[dreg:$0x0] =	wrdreg $0x0  }
0xaa: {  	s6 =	sshll.u32 s28, $0x1;
	[dreg:$0x2] =	wrdreg s5  }
0xab: {  	[dreg:$0x3] =	wrdreg s6  }
0xac: {  	[dreg:$0x4] =	wrdreg $0xC0  }
0xad: {  	_ =	task [dreg:s9], $0x5FFFF  }
0xae: {  	[dreg:$0x1] =	wrdreg $0xFFFFFFFF  }
0xaf: {  	[dreg:$0x0] =	wrdreg $0x60  }
0xb0: {  	[dreg:$0x2] =	wrdreg s2  }
0xb1: {  	[dreg:$0x3] =	wrdreg s19  }
0xb2: {  	[dreg:$0x4] =	wrdreg s4  }
0xb3: {  	[dreg:$0x5] =	wrdreg $0x9  }
0xb4: {  	_ =	task.clear_ibuf [dreg:s9], $0x6FFFF;
	_ =	strace $0x90000046  }
0xb5: {  	s29 =	simm.s32 $0x9;
	_ =	strace $0x80000048  }
0xb6: {  	_ =	swait.ge [sflag:s29], $0x1  }
0xb7: {  	[sflag:s29] =	ssyncadd.s32 $0xFFFFFFFF  }
0xb8: {  	_ =	strace $0x90000048  }
0xb9: {  	_ =	sfence  }
0xba: {  	s30 =	sld [smem:$0x0];
	_ =	sdelay $0x2  }
0xbb: {  	s31 =	sshll.u32 s1, $0xD;
	s1 =	sshrl.u32 s1, $0x2  }
0xbc: {  	s3 =	sand.u32 $0x4000, s31;
	s1 =	sadd.s32 s1, s30  }
0xbd: {  	s0 =	sor.u32 s3, s0;
	s1 =	sshll.u32 s1, $0x11  }
0xbe: {  	s0 =	sor.u32 s1, s0  }
0xbf: {  	s0 =	sadd.s32 $0x8F2B, s0  }
0xc0: {  	[sflag:s0] =	ssyncadd.remote.s32 $0x1  }
0xc1: {  	_ =	sfence.sel $0xFFFF  }
0xc2: {  	[dreg:$0x0] =	wrdreg $0xFFFFFFFF;
	(pc) =	sbr.abs _section_cstart, $3  }
0xc3: {  	[dreg:$0x1] =	wrdreg $0xFFFFFFFF  }
0xc4: {  	_ =	task.clear_ibuf [dreg:s9], $0x2FFFF;
	_ =	strace $0x9FFFFFFF  }
0xc5: {  	(tm) =	ssettm $0x7FFFFFFF  }
tec
execute0_lowered:
.L_overlay_start_1:
0x0: {  	(tag) =	ssettag $0x1  }
0x1: {  	s0 =	rddreg [dreg:$0x0]  }
0x2: {  	s2 =	rddreg [dreg:$0x1];
	s1 =	srdreg.scid  }
0x3: {  	s11 =	stileid.u32;
	s4 =	rddreg [dreg:$0x2];
	s3 =	simm.s32 $0x0  }
0x4: {  	s29 =	simm.s32 $0x12400;
	s31 =	simm.s32 $0x16400;
	s28 =	simm.s32 $0x2  }
0x5: {  	s30 =	simm.s32 $0x3;
	s1 =	sand.u32 $0x1, s1;
	s5 =	sshll.u32 s11, $0x1  }
0x6: {  	s12 =	simm.s32 $0xC;
	s20 =	smul.u32 $0xC8000, s11;
	s5 =	sor.u32 s1, s5  }
0x7: {  	[smem:$0x7FF] =	sst s3;
	s11 =	simm.s32 $0xB;
	s6 =	smul.u32 $0x6400, s5  }
0x8: {  	_ =	strace $0x80000047;
	s7 =	ssub.s32 $0x2, s1;
	s8 =	smul.u32 $0x64000, s5  }
0x9: {  	s1 =	smul.u32 $0x64000, s1;
	s9 =	sshrl.u32 s7, $0x1;
	s6 =	sshrl.u32 s6, $0x3  }
0xa: {  	s10 =	smul.u32 $0x320000, s5;
	s5 =	sadd.s32 s4, s8;
	s0 =	sadd.s32 s0, s6  }
0xb: {  	s7 =	ssub.s32 s7, s9;
	s13 =	sadd.s32 $0x800, s5;
	[dreg:$0x4] =	wrdreg s0  }
0xc: {  	s9 =	simm.s32 $0x6;
	s14 =	sadd.s32 $0x1000, s5;
	[dreg:$0x5] =	wrdreg s13  }
0xd: {  	s15 =	sshrl.u32 s10, $0x3;
	s16 =	sadd.s32 $0x1800, s5;
	[dreg:$0x6] =	wrdreg s14  }
0xe: {  	s8 =	simm.s32 $0x9;
	s17 =	sadd.s32 $0x2000, s5;
	[dreg:$0x7] =	wrdreg s16  }
0xf: {  	s18 =	sadd.s32 $0x2800, s5;
	[dreg:$0x8] =	wrdreg s17;
	s0 =	sadd.s32 s4, s15  }
0x10: {  	s10 =	simm.s32 $0xA;
	[dreg:$0x9] =	wrdreg s18;
	s19 =	sadd.s32 $0x60000, s0  }
0x11: {  	s6 =	simm.s32 $0x8;
	s21 =	sadd.s32 $0x60800, s0;
	[dreg:$0xa] =	wrdreg s19  }
0x12: {  	s4 =	sadd.s32 s20, s4;
	s22 =	sadd.s32 $0x61000, s0;
	[dreg:$0xb] =	wrdreg s21  }
0x13: {  	s13 =	simm.s32 $0x0;
	s23 =	sadd.s32 $0x61800, s0;
	[dreg:$0xc] =	wrdreg s22  }
0x14: {  	s24 =	sadd.s32 $0x62000, s0;
	s25 =	sadd.s32 $0x62800, s0;
	[dreg:$0xd] =	wrdreg s23  }
0x15: {  	s26 =	sadd.s32 $0x63000, s0;
	s1 =	sadd.s32 s1, s4;
	[dreg:$0xe] =	wrdreg s24  }
0x16: {  	s18 =	sadd.s32 $0x63800, s0;
	s0 =	simm.s32 $0x1A400;
	[dreg:$0xf] =	wrdreg s25  }
0x17: {  	s4 =	simm.s32 $0x4;
	[dreg:$0x10] =	wrdreg s26;
	s19 =	smax.u32 s7, $0x1  }
0x18: {  	s20 =	sadd.s32 $0x3000, s1;
	s21 =	simm.s32 $0xD;
	s22 =	simm.s32 $0x80  }
0x19: {  	s23 =	simm.s32 $0x6400;
	s24 =	simm.s32 $0xA400;
	s26 =	simm.s32 $0xE400  }
0x1a: {  	s25 =	simm.s32 $0x1;
	s1 =	simm.s32 $0x7;
	s7 =	simm.s32 $0x5  }
.LBB2_1:
0x1b: {  	s14 =	rddreg [dreg:$0x4]  }
0x1c: {  	[tilespmem:s3], [sflag:$0xD] =	stream.linear.gather [hbm4b:s14+s3], $0x6400, $0x38;
	[tilespmem:$0x1E400] =	vst v63  }
0x1d: {  	_ =	swait.ge [sflag:s21], $0x6400  }
0x1e: {  	[sflag:s21] =	ssyncset.done $0x0  }
0x1f: {  	[sflag:s21] =	ssyncadd.s32 $0xFFFF9C00  }
0x20: {  	[tilespmem:s23], [sflag:$0x1] =	stream.indirect.gather [hbm4b:s2+s22], $0x80, s3, s22, $0xb8;
	[tilespmem:$0x1E400] =	vst v63  }
0x21: {  	_ = 	snop  }
0x22: {  	[tilespmem:s24], [sflag:$0x2] =	stream.indirect.gather [hbm4b:s2+s22], $0x80, s22, s22, $0xb8;
	[tilespmem:$0x1E400] =	vst v63  }
0x23: {  	s16 =	simm.s32 $0x100  }
0x24: {  	[tilespmem:s26], [sflag:$0x3] =	stream.indirect.gather [hbm4b:s2+s22], $0x80, s16, s22, $0xb8;
	[tilespmem:$0x1E400] =	vst v63  }
0x25: {  	s17 =	simm.s32 $0x180  }
0x26: {  	[tilespmem:s29], [sflag:$0x4] =	stream.indirect.gather [hbm4b:s2+s22], $0x80, s17, s22, $0xb8;
	[tilespmem:$0x1E400] =	vst v63  }
0x27: {  	s15 =	simm.s32 $0x200  }
0x28: {  	[tilespmem:s31], [sflag:$0x5] =	stream.indirect.gather [hbm4b:s2+s22], $0x80, s15, s22, $0xb8;
	[tilespmem:$0x1E400] =	vst v63  }
0x29: {  	s16 =	simm.s32 $0x280  }
0x2a: {  	[tilespmem:s0], [sflag:$0x6] =	stream.indirect.gather [hbm4b:s2+s22], $0x80, s16, s22, $0xb8;
	[tilespmem:$0x1E400] =	vst v63  }
0x2b: {  	_ =	swait.ge [sflag:s25], $0x4000  }
0x2c: {  	[sflag:s25] =	ssyncset.done $0x0  }
0x2d: {  	[sflag:s25] =	ssyncadd.s32 $0xFFFFC000  }
0x2e: {  	[hbm4b:s5+s3] =	stream.linear.scatter [tilespmem:s23], [sflag:$0x7], $0x4000, $0x38;
	[tilespmem:$0x1E400] =	vst v63  }
0x2f: {  	_ =	swait.ge [sflag:s28], $0x4000  }
0x30: {  	[sflag:s28] =	ssyncset.done $0x0  }
0x31: {  	s17 =	rddreg [dreg:$0x5];
	[sflag:s28] =	ssyncadd.s32 $0xFFFFC000  }
0x32: {  	[hbm4b:s17+s3] =	stream.linear.scatter [tilespmem:s24], [sflag:$0x8], $0x4000, $0x38;
	[tilespmem:$0x1E400] =	vst v63  }
0x33: {  	_ =	swait.ge [sflag:s30], $0x4000  }
0x34: {  	[sflag:s30] =	ssyncset.done $0x0  }
0x35: {  	s15 =	rddreg [dreg:$0x6];
	[sflag:s30] =	ssyncadd.s32 $0xFFFFC000  }
0x36: {  	[hbm4b:s15+s3] =	stream.linear.scatter [tilespmem:s26], [sflag:$0x9], $0x4000, $0x38;
	[tilespmem:$0x1E400] =	vst v63  }
0x37: {  	_ =	swait.ge [sflag:s1], $0x4000  }
0x38: {  	[sflag:s1] =	ssyncset.done $0x0  }
0x39: {  	s16 =	simm.s32 $0x300;
	[sflag:s1] =	ssyncadd.s32 $0xFFFFC000  }
0x3a: {  	[tilespmem:s23], [sflag:$0x1] =	stream.indirect.gather [hbm4b:s2+s22], $0x80, s16, s22, $0xb8;
	[tilespmem:$0x1E400] =	vst v63  }
0x3b: {  	_ =	swait.ge [sflag:s4], $0x4000  }
0x3c: {  	[sflag:s4] =	ssyncset.done $0x0  }
0x3d: {  	s17 =	rddreg [dreg:$0x7];
	[sflag:s4] =	ssyncadd.s32 $0xFFFFC000  }
0x3e: {  	[hbm4b:s17+s3] =	stream.linear.scatter [tilespmem:s29], [sflag:$0xA], $0x4000, $0x38;
	[tilespmem:$0x1E400] =	vst v63  }
0x3f: {  	_ =	swait.ge [sflag:s6], $0x4000  }
0x40: {  	[sflag:s6] =	ssyncset.done $0x0  }
0x41: {  	s15 =	simm.s32 $0x380;
	[sflag:s6] =	ssyncadd.s32 $0xFFFFC000  }
0x42: {  	[tilespmem:s24], [sflag:$0x2] =	stream.indirect.gather [hbm4b:s2+s22], $0x80, s15, s22, $0xb8;
	[tilespmem:$0x1E400] =	vst v63  }
0x43: {  	_ =	swait.ge [sflag:s7], $0x4000  }
0x44: {  	[sflag:s7] =	ssyncset.done $0x0  }
0x45: {  	s16 =	rddreg [dreg:$0x8];
	[sflag:s7] =	ssyncadd.s32 $0xFFFFC000  }
0x46: {  	[hbm4b:s16+s3] =	stream.linear.scatter [tilespmem:s31], [sflag:$0xB], $0x4000, $0x38;
	[tilespmem:$0x1E400] =	vst v63  }
0x47: {  	_ =	swait.ge [sflag:s8], $0x4000  }
0x48: {  	[sflag:s8] =	ssyncset.done $0x0  }
0x49: {  	s17 =	simm.s32 $0x400;
	[sflag:s8] =	ssyncadd.s32 $0xFFFFC000  }
0x4a: {  	[tilespmem:s26], [sflag:$0x3] =	stream.indirect.gather [hbm4b:s2+s22], $0x80, s17, s22, $0xb8;
	[tilespmem:$0x1E400] =	vst v63  }
0x4b: {  	_ =	swait.ge [sflag:s9], $0x4000  }
0x4c: {  	[sflag:s9] =	ssyncset.done $0x0  }
0x4d: {  	s15 =	rddreg [dreg:$0x9];
	[sflag:s9] =	ssyncadd.s32 $0xFFFFC000  }
0x4e: {  	[hbm4b:s15+s3] =	stream.linear.scatter [tilespmem:s0], [sflag:$0xC], $0x4000, $0x38;
	[tilespmem:$0x1E400] =	vst v63  }
0x4f: {  	_ =	swait.ge [sflag:s10], $0x4000  }
0x50: {  	[sflag:s10] =	ssyncset.done $0x0  }
0x51: {  	s16 =	simm.s32 $0x480;
	[sflag:s10] =	ssyncadd.s32 $0xFFFFC000  }
0x52: {  	[tilespmem:s29], [sflag:$0x4] =	stream.indirect.gather [hbm4b:s2+s22], $0x80, s16, s22, $0xb8;
	[tilespmem:$0x1E400] =	vst v63  }
0x53: {  	_ =	swait.ge [sflag:s25], $0x4000  }
0x54: {  	[sflag:s25] =	ssyncset.done $0x0  }
0x55: {  	[sflag:s25] =	ssyncadd.s32 $0xFFFFC000  }
0x56: {  	[hbm4b:s20+s3] =	stream.linear.scatter [tilespmem:s23], [sflag:$0x7], $0x4000, $0x38;
	[tilespmem:$0x1E400] =	vst v63  }
0x57: {  	_ =	swait.ge [sflag:s11], $0x4000  }
0x58: {  	[sflag:s11] =	ssyncset.done $0x0  }
0x59: {  	s17 =	simm.s32 $0x500;
	[sflag:s11] =	ssyncadd.s32 $0xFFFFC000  }
0x5a: {  	[tilespmem:s31], [sflag:$0x5] =	stream.indirect.gather [hbm4b:s2+s22], $0x80, s17, s22, $0xb8;
	[tilespmem:$0x1E400] =	vst v63  }
0x5b: {  	_ =	swait.ge [sflag:s28], $0x4000  }
0x5c: {  	[sflag:s28] =	ssyncset.done $0x0  }
0x5d: {  	s15 =	sadd.s32 $0x800, s20;
	[sflag:s28] =	ssyncadd.s32 $0xFFFFC000  }
0x5e: {  	[hbm4b:s15+s3] =	stream.linear.scatter [tilespmem:s24], [sflag:$0x8], $0x4000, $0x38;
	[tilespmem:$0x1E400] =	vst v63  }
0x5f: {  	_ =	swait.ge [sflag:s12], $0x4000  }
0x60: {  	[sflag:s12] =	ssyncset.done $0x0  }
0x61: {  	s16 =	simm.s32 $0x580;
	[sflag:s12] =	ssyncadd.s32 $0xFFFFC000  }
0x62: {  	[tilespmem:s0], [sflag:$0x6] =	stream.indirect.gather [hbm4b:s2+s22], $0x80, s16, s22, $0xb8;
	[tilespmem:$0x1E400] =	vst v63  }
0x63: {  	_ =	swait.ge [sflag:s30], $0x4000  }
0x64: {  	[sflag:s30] =	ssyncset.done $0x0  }
0x65: {  	s17 =	sadd.s32 $0x1000, s20;
	[sflag:s30] =	ssyncadd.s32 $0xFFFFC000  }
0x66: {  	[hbm4b:s17+s3] =	stream.linear.scatter [tilespmem:s26], [sflag:$0x9], $0x4000, $0x38;
	[tilespmem:$0x1E400] =	vst v63  }
0x67: {  	_ =	swait.ge [sflag:s1], $0x4000  }
0x68: {  	[sflag:s1] =	ssyncset.done $0x0  }
0x69: {  	s15 =	simm.s32 $0x600;
	[sflag:s1] =	ssyncadd.s32 $0xFFFFC000  }
0x6a: {  	[tilespmem:s23], [sflag:$0x1] =	stream.indirect.gather [hbm4b:s2+s22], $0x80, s15, s22, $0xb8;
	[tilespmem:$0x1E400] =	vst v63  }
0x6b: {  	_ =	swait.ge [sflag:s4], $0x4000  }
0x6c: {  	[sflag:s4] =	ssyncset.done $0x0  }
0x6d: {  	s16 =	sadd.s32 $0x1800, s20;
	[sflag:s4] =	ssyncadd.s32 $0xFFFFC000  }
0x6e: {  	[hbm4b:s16+s3] =	stream.linear.scatter [tilespmem:s29], [sflag:$0xA], $0x4000, $0x38;
	[tilespmem:$0x1E400] =	vst v63  }
0x6f: {  	_ =	swait.ge [sflag:s6], $0x4000  }
0x70: {  	[sflag:s6] =	ssyncset.done $0x0  }
0x71: {  	s17 =	simm.s32 $0x680;
	[sflag:s6] =	ssyncadd.s32 $0xFFFFC000  }
0x72: {  	[tilespmem:s24], [sflag:$0x2] =	stream.indirect.gather [hbm4b:s2+s22], $0x80, s17, s22, $0xb8;
	[tilespmem:$0x1E400] =	vst v63  }
0x73: {  	_ =	swait.ge [sflag:s7], $0x4000  }
0x74: {  	[sflag:s7] =	ssyncset.done $0x0  }
0x75: {  	s15 =	sadd.s32 $0x2000, s20;
	[sflag:s7] =	ssyncadd.s32 $0xFFFFC000  }
0x76: {  	[hbm4b:s15+s3] =	stream.linear.scatter [tilespmem:s31], [sflag:$0xB], $0x4000, $0x38;
	[tilespmem:$0x1E400] =	vst v63  }
0x77: {  	_ =	swait.ge [sflag:s8], $0x4000  }
0x78: {  	[sflag:s8] =	ssyncset.done $0x0  }
0x79: {  	s16 =	simm.s32 $0x700;
	[sflag:s8] =	ssyncadd.s32 $0xFFFFC000  }
0x7a: {  	[tilespmem:s26], [sflag:$0x3] =	stream.indirect.gather [hbm4b:s2+s22], $0x80, s16, s22, $0xb8;
	[tilespmem:$0x1E400] =	vst v63  }
0x7b: {  	_ =	swait.ge [sflag:s9], $0x4000  }
0x7c: {  	[sflag:s9] =	ssyncset.done $0x0  }
0x7d: {  	s17 =	sadd.s32 $0x2800, s20;
	[sflag:s9] =	ssyncadd.s32 $0xFFFFC000  }
0x7e: {  	[hbm4b:s17+s3] =	stream.linear.scatter [tilespmem:s0], [sflag:$0xC], $0x4000, $0x38;
	[tilespmem:$0x1E400] =	vst v63  }
0x7f: {  	_ =	swait.ge [sflag:s10], $0x4000  }
0x80: {  	s14 =	simm.s32 $0xC00;
	[sflag:s10] =	ssyncset.done $0x0  }
0x81: {  	s15 =	sadd.s32 $0x3000, s20;
	s16 =	simm.s32 $0x780;
	[sflag:s10] =	ssyncadd.s32 $0xFFFFC000  }
.LBB2_2:
0x82: {  	[tilespmem:s29], [sflag:$0x4] =	stream.indirect.gather [hbm4b:s2+s22], $0x80, s16, s22, $0xb8;
	[tilespmem:$0x1E400] =	vst v63  }
0x83: {  	s16 =	smov.u32 s14  }
0x84: {  	p0 =	sne.s32 s14, $0x16800;
	s14 =	sadd.s32 $0xC00, s14;
	_ =	swait.ge [sflag:s25], $0x4000  }
0x85: {  	[sflag:s25] =	ssyncset.done $0x0  }
0x86: {  	[sflag:s25] =	ssyncadd.s32 $0xFFFFC000  }
0x87: {  	[hbm4b:s15+s3] =	stream.linear.scatter [tilespmem:s23], [sflag:$0x7], $0x4000, $0x38;
	[tilespmem:$0x1E400] =	vst v63  }
0x88: {  	_ =	swait.ge [sflag:s11], $0x4000  }
0x89: {  	s16 =	sshra.s32 s16, $0x2;
	[sflag:s11] =	ssyncset.done $0x0  }
0x8a: {  	s17 =	sadd.s32 $0x500, s16;
	[sflag:s11] =	ssyncadd.s32 $0xFFFFC000  }
0x8b: {  	[tilespmem:s31], [sflag:$0x5] =	stream.indirect.gather [hbm4b:s2+s22], $0x80, s17, s22, $0xb8;
	[tilespmem:$0x1E400] =	vst v63  }
0x8c: {  	_ =	swait.ge [sflag:s28], $0x4000  }
0x8d: {  	[sflag:s28] =	ssyncset.done $0x0  }
0x8e: {  	s17 =	sadd.s32 $0x800, s15;
	[sflag:s28] =	ssyncadd.s32 $0xFFFFC000  }
0x8f: {  	[hbm4b:s17+s3] =	stream.linear.scatter [tilespmem:s24], [sflag:$0x8], $0x4000, $0x38;
	[tilespmem:$0x1E400] =	vst v63  }
0x90: {  	_ =	swait.ge [sflag:s12], $0x4000  }
0x91: {  	[sflag:s12] =	ssyncset.done $0x0  }
0x92: {  	s17 =	sadd.s32 $0x580, s16;
	[sflag:s12] =	ssyncadd.s32 $0xFFFFC000  }
0x93: {  	[tilespmem:s0], [sflag:$0x6] =	stream.indirect.gather [hbm4b:s2+s22], $0x80, s17, s22, $0xb8;
	[tilespmem:$0x1E400] =	vst v63  }
0x94: {  	_ =	swait.ge [sflag:s30], $0x4000  }
0x95: {  	[sflag:s30] =	ssyncset.done $0x0  }
0x96: {  	s17 =	sadd.s32 $0x1000, s15;
	[sflag:s30] =	ssyncadd.s32 $0xFFFFC000  }
0x97: {  	[hbm4b:s17+s3] =	stream.linear.scatter [tilespmem:s26], [sflag:$0x9], $0x4000, $0x38;
	[tilespmem:$0x1E400] =	vst v63  }
0x98: {  	_ =	swait.ge [sflag:s1], $0x4000  }
0x99: {  	[sflag:s1] =	ssyncset.done $0x0  }
0x9a: {  	s17 =	sadd.s32 $0x600, s16;
	[sflag:s1] =	ssyncadd.s32 $0xFFFFC000  }
0x9b: {  	[tilespmem:s23], [sflag:$0x1] =	stream.indirect.gather [hbm4b:s2+s22], $0x80, s17, s22, $0xb8;
	[tilespmem:$0x1E400] =	vst v63  }
0x9c: {  	_ =	swait.ge [sflag:s4], $0x4000  }
0x9d: {  	[sflag:s4] =	ssyncset.done $0x0  }
0x9e: {  	s17 =	sadd.s32 $0x1800, s15;
	[sflag:s4] =	ssyncadd.s32 $0xFFFFC000  }
0x9f: {  	[hbm4b:s17+s3] =	stream.linear.scatter [tilespmem:s29], [sflag:$0xA], $0x4000, $0x38;
	[tilespmem:$0x1E400] =	vst v63  }
0xa0: {  	_ =	swait.ge [sflag:s6], $0x4000  }
0xa1: {  	[sflag:s6] =	ssyncset.done $0x0  }
0xa2: {  	s17 =	sadd.s32 $0x680, s16;
	[sflag:s6] =	ssyncadd.s32 $0xFFFFC000  }
0xa3: {  	[tilespmem:s24], [sflag:$0x2] =	stream.indirect.gather [hbm4b:s2+s22], $0x80, s17, s22, $0xb8;
	[tilespmem:$0x1E400] =	vst v63  }
0xa4: {  	_ =	swait.ge [sflag:s7], $0x4000  }
0xa5: {  	[sflag:s7] =	ssyncset.done $0x0  }
0xa6: {  	s17 =	sadd.s32 $0x2000, s15;
	[sflag:s7] =	ssyncadd.s32 $0xFFFFC000  }
0xa7: {  	[hbm4b:s17+s3] =	stream.linear.scatter [tilespmem:s31], [sflag:$0xB], $0x4000, $0x38;
	[tilespmem:$0x1E400] =	vst v63  }
0xa8: {  	_ =	swait.ge [sflag:s8], $0x4000  }
0xa9: {  	[sflag:s8] =	ssyncset.done $0x0  }
0xaa: {  	s17 =	sadd.s32 $0x700, s16;
	[sflag:s8] =	ssyncadd.s32 $0xFFFFC000  }
0xab: {  	[tilespmem:s26], [sflag:$0x3] =	stream.indirect.gather [hbm4b:s2+s22], $0x80, s17, s22, $0xb8;
	[tilespmem:$0x1E400] =	vst v63  }
0xac: {  	_ =	swait.ge [sflag:s9], $0x4000  }
0xad: {  	[sflag:s9] =	ssyncset.done $0x0  }
.Ltmp0:
0xae: {  	s17 =	sadd.s32 $0x2800, s15;
	[sflag:s9] =	ssyncadd.s32 $0xFFFFC000;
	(pc) =	sbr.rel @p0 .LBB2_2-.Ltmp0, $4  }
0xaf: {  	[hbm4b:s17+s3] =	stream.linear.scatter [tilespmem:s0], [sflag:$0xC], $0x4000, $0x38;
	[tilespmem:$0x1E400] =	vst v63  }
0xb0: {  	_ =	swait.ge [sflag:s10], $0x4000  }
0xb1: {  	[sflag:s10] =	ssyncset.done $0x0  }
0xb2: {  	s16 =	sadd.s32 $0x780, s16;
	s15 =	sadd.s32 $0x3000, s15;
	[sflag:s10] =	ssyncadd.s32 $0xFFFFC000  }
0xb3: {  	[tilespmem:s29], [sflag:$0x4] =	stream.indirect.gather [hbm4b:s2+s22], $0x80, s16, s22, $0xb8;
	[tilespmem:$0x1E400] =	vst v63  }
0xb4: {  	_ =	swait.ge [sflag:s25], $0x4000  }
0xb5: {  	[sflag:s25] =	ssyncset.done $0x0  }
0xb6: {  	s14 =	rddreg [dreg:$0xa];
	[sflag:s25] =	ssyncadd.s32 $0xFFFFC000  }
0xb7: {  	[hbm4b:s14+s3] =	stream.linear.scatter [tilespmem:s23], [sflag:$0x7], $0x4000, $0x38;
	[tilespmem:$0x1E400] =	vst v63  }
0xb8: {  	_ =	swait.ge [sflag:s11], $0x4000  }
0xb9: {  	[sflag:s11] =	ssyncset.done $0x0  }
0xba: {  	s17 =	simm.s32 $0x6200;
	[sflag:s11] =	ssyncadd.s32 $0xFFFFC000  }
0xbb: {  	[tilespmem:s31], [sflag:$0x5] =	stream.indirect.gather [hbm4b:s2+s22], $0x80, s17, s22, $0xb8;
	[tilespmem:$0x1E400] =	vst v63  }
0xbc: {  	_ =	swait.ge [sflag:s28], $0x4000  }
0xbd: {  	[sflag:s28] =	ssyncset.done $0x0  }
0xbe: {  	s15 =	rddreg [dreg:$0xb];
	[sflag:s28] =	ssyncadd.s32 $0xFFFFC000  }
0xbf: {  	[hbm4b:s15+s3] =	stream.linear.scatter [tilespmem:s24], [sflag:$0x8], $0x4000, $0x38;
	[tilespmem:$0x1E400] =	vst v63  }
0xc0: {  	_ =	swait.ge [sflag:s12], $0x4000  }
0xc1: {  	[sflag:s12] =	ssyncset.done $0x0  }
0xc2: {  	s16 =	simm.s32 $0x6280;
	[sflag:s12] =	ssyncadd.s32 $0xFFFFC000  }
0xc3: {  	[tilespmem:s0], [sflag:$0x6] =	stream.indirect.gather [hbm4b:s2+s22], $0x80, s16, s22, $0xb8;
	[tilespmem:$0x1E400] =	vst v63  }
0xc4: {  	_ =	swait.ge [sflag:s30], $0x4000  }
0xc5: {  	[sflag:s30] =	ssyncset.done $0x0  }
0xc6: {  	s17 =	rddreg [dreg:$0xc];
	[sflag:s30] =	ssyncadd.s32 $0xFFFFC000  }
0xc7: {  	[hbm4b:s17+s3] =	stream.linear.scatter [tilespmem:s26], [sflag:$0x9], $0x4000, $0x38;
	[tilespmem:$0x1E400] =	vst v63  }
0xc8: {  	_ =	swait.ge [sflag:s1], $0x4000  }
0xc9: {  	[sflag:s1] =	ssyncset.done $0x0  }
0xca: {  	s15 =	simm.s32 $0x6300;
	[sflag:s1] =	ssyncadd.s32 $0xFFFFC000  }
0xcb: {  	[tilespmem:s23], [sflag:$0x1] =	stream.indirect.gather [hbm4b:s2+s22], $0x80, s15, s22, $0xb8;
	[tilespmem:$0x1E400] =	vst v63  }
0xcc: {  	_ =	swait.ge [sflag:s4], $0x4000  }
0xcd: {  	[sflag:s4] =	ssyncset.done $0x0  }
0xce: {  	s16 =	rddreg [dreg:$0xd];
	[sflag:s4] =	ssyncadd.s32 $0xFFFFC000  }
0xcf: {  	[hbm4b:s16+s3] =	stream.linear.scatter [tilespmem:s29], [sflag:$0xA], $0x4000, $0x38;
	[tilespmem:$0x1E400] =	vst v63  }
0xd0: {  	_ =	swait.ge [sflag:s6], $0x4000  }
0xd1: {  	[sflag:s6] =	ssyncset.done $0x0  }
0xd2: {  	s17 =	simm.s32 $0x6380;
	[sflag:s6] =	ssyncadd.s32 $0xFFFFC000  }
0xd3: {  	[tilespmem:s24], [sflag:$0x2] =	stream.indirect.gather [hbm4b:s2+s22], $0x80, s17, s22, $0xb8;
	[tilespmem:$0x1E400] =	vst v63  }
0xd4: {  	_ =	swait.ge [sflag:s7], $0x4000  }
0xd5: {  	[sflag:s7] =	ssyncset.done $0x0  }
0xd6: {  	s15 =	rddreg [dreg:$0xe];
	[sflag:s7] =	ssyncadd.s32 $0xFFFFC000  }
0xd7: {  	[hbm4b:s15+s3] =	stream.linear.scatter [tilespmem:s31], [sflag:$0xB], $0x4000, $0x38;
	[tilespmem:$0x1E400] =	vst v63  }
0xd8: {  	_ =	swait.ge [sflag:s8], $0x4000  }
0xd9: {  	[sflag:s8] =	ssyncset.done $0x0  }
0xda: {  	[sflag:s8] =	ssyncadd.s32 $0xFFFFC000  }
0xdb: {  	_ =	swait.ge [sflag:s9], $0x4000  }
0xdc: {  	[sflag:s9] =	ssyncset.done $0x0  }
0xdd: {  	s16 =	rddreg [dreg:$0xf];
	[sflag:s9] =	ssyncadd.s32 $0xFFFFC000  }
0xde: {  	[hbm4b:s16+s3] =	stream.linear.scatter [tilespmem:s0], [sflag:$0xC], $0x4000, $0x38;
	[tilespmem:$0x1E400] =	vst v63  }
0xdf: {  	_ =	swait.ge [sflag:s10], $0x4000  }
0xe0: {  	[sflag:s10] =	ssyncset.done $0x0  }
0xe1: {  	[sflag:s10] =	ssyncadd.s32 $0xFFFFC000  }
0xe2: {  	_ =	swait.ge [sflag:s25], $0x4000  }
0xe3: {  	[sflag:s25] =	ssyncset.done $0x0  }
0xe4: {  	s17 =	rddreg [dreg:$0x10];
	[sflag:s25] =	ssyncadd.s32 $0xFFFFC000  }
0xe5: {  	[hbm4b:s17+s3] =	stream.linear.scatter [tilespmem:s23], [sflag:$0x7], $0x4000, $0x38;
	[tilespmem:$0x1E400] =	vst v63  }
0xe6: {  	_ =	swait.ge [sflag:s11], $0x4000  }
0xe7: {  	[sflag:s11] =	ssyncset.done $0x0  }
0xe8: {  	[sflag:s11] =	ssyncadd.s32 $0xFFFFC000  }
0xe9: {  	_ =	swait.ge [sflag:s28], $0x4000  }
0xea: {  	[sflag:s28] =	ssyncset.done $0x0  }
0xeb: {  	[sflag:s28] =	ssyncadd.s32 $0xFFFFC000  }
0xec: {  	[hbm4b:s18+s3] =	stream.linear.scatter [tilespmem:s24], [sflag:$0x8], $0x4000, $0x38;
	[tilespmem:$0x1E400] =	vst v63  }
0xed: {  	_ =	swait.ge [sflag:s12], $0x4000  }
0xee: {  	[sflag:s12] =	ssyncset.done $0x0  }
0xef: {  	s13 =	sadd.s32 $0x1, s13;
	[sflag:s12] =	ssyncadd.s32 $0xFFFFC000  }
0xf0: {  	p0 =	sne.s32 s13, s19;
	_ =	swait.ge [sflag:s1], $0x4000  }
.Ltmp1:
0xf1: {  	[sflag:s1] =	ssyncset.done $0x0;
	(pc) =	sbr.rel @p0 .LBB2_1-.Ltmp1, $4  }
0xf2: {  	[sflag:s1] =	ssyncadd.s32 $0xFFFFC000  }
0xf3: {  	_ =	swait.ge [sflag:s6], $0x4000  }
0xf4: {  	[sflag:s6] =	ssyncset.done $0x0  }
0xf5: {  	[sflag:s6] =	ssyncadd.s32 $0xFFFFC000  }
0xf6: {  	_ =	sfence.sel $0x180000  }
0xf7: {  	[bflag:$0x0] =	sbarrier.arrive $0xFFFF  }
0xf8: {  	_ =	strace $0x90000047  }
0xf9: {  	s0 =	stileid.u32;
	[bflag:$0x2] =	sbarrier.arrive $0xFFFF  }
0xfa: {  	p0 =	sne.s32 s0, $0x0;
	s0 =	rddreg [dreg:$0x3]  }
0xfb: {  	s0 =	sadd.s32 @!p0 $0x100000, s0  }
0xfc: {  	[sflag:s0] =	ssyncadd.tile.s32 @!p0 $0x1;
	_ =	shalt  }
.Lfunc_end2:
_tile_overlayer_lowered:
.L_overlay_start_2:
0xfd: {  	(tag) =	ssettag $0x2  }
0xfe: {  	s0 =	rddreg [dreg:$0x0];
	s2 =	stileid.u32  }
0xff: {  	s1 =	rddreg [dreg:$0x1];
	p0 =	sne.s32 s2, $0x0  }
0x100: {  	s3 =	rddreg [dreg:$0x2];
	[bflag:$0x3] =	sbarrier.arrive $0xFFFF;
	s2 =	simm.s32 @!p0 $0x1C0D  }
0x101: {  	[timem:s3], [sflag:s2] =	dma.local @!p0 [hbm:s0], s1  }
0x102: {  	s0 =	simm.s32 @!p0 $0xD  }
0x103: {  	_ =	swait.ge @!p0 [sflag:s0], s1  }
0x104: {  	s1 =	ssub.s32 @!p0 $0x0, s1;
	[sflag:s0] =	ssyncset.done @!p0 $0x0  }
0x105: {  	[sflag:s0] =	ssyncadd.s32 @!p0 s1  }
0x106: {  	[bflag:$0x3] =	sbarrier.arrive $0xFFFF  }
0x107: {  	_ =	shalt  }

</sc_bundles>
